<compile_context>
chip_gen: v7x
topology: tpu7x:2x2x1
jax: 0.10.2.dev20260603
libtpu: 0.0.44.dev20260713+nightly
codegen_flags: <defaults>
</compile_context>

<pallas_src>
import functools

import jax
import jax.numpy as jnp
from jax import lax
from jax.experimental import pallas as pl
from jax.experimental.pallas import tpu as pltpu
from jax.experimental.pallas import tpu_sc as plsc

N = 10000
E = 160000
H = 32
ED = 16

NUM_CORES = 2
NUM_SUBCORES = 16
ROWS_PER_SUBCORE = N // NUM_SUBCORES

GW = 128
SW = 128
EB = 256


def _vector_mesh():
    return plsc.VectorSubcoreMesh(core_axis_name="core", subcore_axis_name="subcore")


_SC_PARAMS = pltpu.CompilerParams(use_tc_tiling_on_sc=False)


def _gather_nf(x, col2d):
    @functools.partial(
        pl.kernel,
        out_type=jax.ShapeDtypeStruct((E, H), jnp.float32),
        mesh=_vector_mesh(),
        compiler_params=_SC_PARAMS,
    )
    def gather_kernel(x_hbm, i_hbm, o_hbm):
        def body(i_vmem, o_vmem):
            pltpu.sync_copy(x_hbm.at[i_vmem.at[0]], o_vmem)

        pltpu.emit_pipeline(
            body,
            grid=(E // GW,),
            in_specs=[pl.BlockSpec((1, GW), lambda i: (0, i))],
            out_specs=[pl.BlockSpec((GW, H), lambda i: (i, 0))],
            core_axis_name=("core", "subcore"),
            dimension_semantics=(pltpu.PARALLEL,),
        )(i_hbm, o_hbm)

    return gather_kernel(x, col2d)


def _edge_messages(edge_attr, nf, W1, b1, W2p, b2p, Rrep):
    def body(ea_ref, nf_ref, w1_ref, b1_ref, w2_ref, b2_ref, r_ref, out_ref):
        h1 = jnp.maximum(
            jnp.dot(ea_ref[...], w1_ref[...], preferred_element_type=jnp.float32)
            + b1_ref[...],
            0.0,
        )
        ew = (
            jnp.dot(h1, w2_ref[...], preferred_element_type=jnp.float32)
            + b2_ref[...]
        )
        nf = nf_ref[...]
        nf_rep = jnp.dot(nf, r_ref[...], preferred_element_type=jnp.float32)
        p = ew * nf_rep
        m = p[:, :512] + p[:, 512:]
        m = m[:, :256] + m[:, 256:]
        m = m[:, :128] + m[:, 128:]
        m = m[:, :64] + m[:, 64:]
        m = m[:, :32] + m[:, 32:]
        out_ref[...] = m

    return pl.pallas_call(
        body,
        grid=(E // EB,),
        in_specs=[
            pl.BlockSpec((EB, ED), lambda i: (i, 0)),
            pl.BlockSpec((EB, H), lambda i: (i, 0)),
            pl.BlockSpec((ED, H), lambda i: (0, 0)),
            pl.BlockSpec((1, H), lambda i: (0, 0)),
            pl.BlockSpec((H, H * H), lambda i: (0, 0)),
            pl.BlockSpec((1, H * H), lambda i: (0, 0)),
            pl.BlockSpec((H, H * H), lambda i: (0, 0)),
        ],
        out_specs=pl.BlockSpec((EB, H), lambda i: (i, 0)),
        out_shape=jax.ShapeDtypeStruct((E, H), jnp.float32),
    )(edge_attr, nf, W1, b1, W2p, b2p, Rrep)


def _scatter_add(messages, row2d, zeros_slice):
    @functools.partial(
        pl.kernel,
        out_type=jax.ShapeDtypeStruct((NUM_CORES, N, H), jnp.float32),
        mesh=_vector_mesh(),
        scratch_types=[pltpu.VMEM_SHARED((N, H), jnp.float32)],
        compiler_params=_SC_PARAMS,
    )
    def scatter_kernel(m_hbm, i_hbm, z_hbm, o_hbm, acc):
        cid = lax.axis_index("core")
        sid = lax.axis_index("subcore")
        pltpu.sync_copy(
            z_hbm, acc.at[pl.ds(sid * ROWS_PER_SUBCORE, ROWS_PER_SUBCORE), :]
        )
        plsc.subcore_barrier()

        def body(m_vmem, i_vmem):
            pltpu.sync_copy(m_vmem, acc.at[i_vmem.at[0]], add=True)

        pltpu.emit_pipeline(
            body,
            grid=(E // SW,),
            in_specs=[
                pl.BlockSpec((SW, H), lambda i: (i, 0)),
                pl.BlockSpec((1, SW), lambda i: (0, i)),
            ],
            out_specs=[],
            core_axis_name=("core", "subcore"),
            dimension_semantics=(pltpu.PARALLEL,),
        )(m_hbm, i_hbm)
        plsc.subcore_barrier()
        pltpu.sync_copy(
            acc.at[pl.ds(sid * ROWS_PER_SUBCORE, ROWS_PER_SUBCORE), :],
            o_hbm.at[cid, pl.ds(sid * ROWS_PER_SUBCORE, ROWS_PER_SUBCORE), :],
        )

    return scatter_kernel(messages, row2d, zeros_slice)


def _gru(partial, hprev, gk, gr, gb0, gb1):
    def body(p_ref, h_ref, gk_ref, gr_ref, b0_ref, b1_ref, out_ref):
        agg = p_ref[0] + p_ref[1]
        hp = h_ref[...]
        gi = jnp.dot(agg, gk_ref[...], preferred_element_type=jnp.float32) + b0_ref[...]
        gh = jnp.dot(hp, gr_ref[...], preferred_element_type=jnp.float32) + b1_ref[...]
        z = jax.nn.sigmoid(gi[:, :H] + gh[:, :H])
        r = jax.nn.sigmoid(gi[:, H : 2 * H] + gh[:, H : 2 * H])
        hh = jnp.tanh(gi[:, 2 * H :] + r * gh[:, 2 * H :])
        out_ref[...] = z * hp + (1.0 - z) * hh

    return pl.pallas_call(
        body,
        out_shape=jax.ShapeDtypeStruct((N, H), jnp.float32),
    )(partial, hprev, gk, gr, gb0, gb1)


def kernel(x, edge_index, edge_attr, hidden_state, W1, b1, W2, b2,
           gru_kernel, gru_recurrent, gru_bias):
    row2d = edge_index[0].reshape(1, E)
    col2d = edge_index[1].reshape(1, E)
    W2p = W2.reshape(H, H, H).transpose(0, 2, 1).reshape(H, H * H)
    b2p = b2.reshape(H, H).T.reshape(1, H * H)
    zeros_slice = jnp.zeros((ROWS_PER_SUBCORE, H), jnp.float32)
    Rrep = jnp.repeat(jnp.eye(H, dtype=jnp.float32), H, axis=1)

    nf = _gather_nf(x, col2d)
    messages = _edge_messages(edge_attr, nf, W1, b1.reshape(1, H), W2p, b2p, Rrep)
    partial = _scatter_add(messages, row2d, zeros_slice)
    hnew = _gru(partial, hidden_state[0], gru_kernel, gru_recurrent,
                gru_bias[0].reshape(1, 3 * H), gru_bias[1].reshape(1, 3 * H))
    return hnew, hnew[None, :, :]

# --- scband reference (transcript-rebuilt; emitter-appended) ---
"""Pipeline reference for scband-mpnnconvolution-47974784696370 (READ-ONLY COPY).

The authoritative reference and input builder live on the scoring server;
editing this copy changes nothing except your own understanding.
"""

import jax, jax.numpy as jnp
import numpy as np

N = 10000
E = 160000
H = 32
ED = 16

def setup_inputs(seed: int = 0) -> dict:
    key = jax.random.key(seed)
    ks = jax.random.split(key, 11)
    x = jax.random.normal(ks[0], (N, H), dtype=jnp.float32)
    edge_index = jax.random.randint(ks[1], (2, E), 0, N, dtype=jnp.int32)
    edge_attr = jax.random.normal(ks[2], (E, ED), dtype=jnp.float32)
    hidden_state = jax.random.normal(ks[3], (1, N, H), dtype=jnp.float32)
    W1 = jax.random.normal(ks[4], (ED, H), dtype=jnp.float32) * 0.1
    b1 = jnp.zeros((H,), jnp.float32)
    W2 = jax.random.normal(ks[5], (H, H * H), dtype=jnp.float32) * 0.02
    b2 = jnp.zeros((H * H,), jnp.float32)
    gru_kernel = jax.random.normal(ks[6], (H, 3 * H), dtype=jnp.float32) * 0.1
    gru_recurrent = jax.random.normal(ks[7], (H, 3 * H), dtype=jnp.float32) * 0.1
    gru_bias = jnp.zeros((2, 3 * H), jnp.float32)
    return {"x": x, "edge_index": edge_index, "edge_attr": edge_attr,
            "hidden_state": hidden_state, "W1": W1, "b1": b1, "W2": W2, "b2": b2,
            "gru_kernel": gru_kernel, "gru_recurrent": gru_recurrent, "gru_bias": gru_bias}

def reference(x, edge_index, edge_attr, hidden_state, W1, b1, W2, b2, gru_kernel, gru_recurrent, gru_bias):
    row = edge_index[0]
    col = edge_index[1]
    # edge network: Dense(H, relu) -> Dense(H*H)
    h1 = jax.nn.relu(edge_attr @ W1 + b1)
    edge_weights = (h1 @ W2 + b2).reshape(-1, H, H)
    # gather neighbor features and apply per-edge weight matrix
    neighbor_features = jnp.take(x, col, axis=0)
    messages = jnp.einsum('bij,bj->bi', edge_weights, neighbor_features)
    # scatter-add aggregation over destination nodes (tf.scatter_nd sums duplicates)
    aggregated = jnp.zeros((x.shape[0], H), dtype=x.dtype).at[row].add(messages)
    # GRU update: single step per node (batch=num_nodes, seq_len=1),
    # Keras GRUCell math with reset_after=True
    hprev = hidden_state[0]
    gi = aggregated @ gru_kernel + gru_bias[0]
    gh = hprev @ gru_recurrent + gru_bias[1]
    i_z, i_r, i_h = jnp.split(gi, 3, axis=-1)
    h_z, h_r, h_h = jnp.split(gh, 3, axis=-1)
    z = jax.nn.sigmoid(i_z + h_z)
    r = jax.nn.sigmoid(i_r + h_r)
    hh = jnp.tanh(i_h + r * h_h)
    hnew = z * hprev + (1.0 - z) * hh
    output = hnew
    new_state = hnew[None, :, :]
    return (output, new_state)

if __name__ == "__main__":
    import jax
    _d = setup_inputs()
    print(jax.jit(kernel)(*tuple(_d.values())))

</pallas_src>

<mosaic_0001>
#map = affine_map<(d0, d1) -> (0, 0)>
module attributes {stable_mosaic.version = 14 : i64} {
  func.func @gather_kernel(%arg0: i32, %arg1: i32, %arg2: memref<10000x32xf32, #tpu.memory_space<hbm>>, %arg3: memref<1x160000xi32, #tpu.memory_space<hbm>>, %arg4: memref<160000x32xf32, #tpu.memory_space<hbm>>) attributes {dimension_semantics = [#tpu.dimension_semantics<core_parallel>, #tpu.dimension_semantics<subcore_parallel>], iteration_bounds = array<i64: 2, 16>, scalar_prefetch = 0 : i64, scratch_operands = 0 : i64, tpu.core_type = #tpu.core_type<sc_vector_subcore>, window_params = [{transform_indices = #map}, {transform_indices = #map}, {transform_indices = #map}]} {
    %mul3A = arith.constant 1 : i32
    %mul3A_0 = arith.muli %arg1, %mul3A : i32
    %add3A = arith.constant 0 : i32
    %add3A_1 = arith.addi %add3A, %mul3A_0 : i32
    %mul3A_2 = arith.constant 16 : i32
    %mul3A_3 = arith.muli %arg0, %mul3A_2 : i32
    %add3A_4 = arith.addi %add3A_1, %mul3A_3 : i32
    %lt3A = arith.constant 2 : i32
    %lt3A_5 = arith.cmpi slt, %add3A_4, %lt3A : i32
    %jit3A = arith.constant 40 : i32
    %jit3A_6 = arith.constant 39 : i32
    %select_n3A = arith.select %lt3A_5, %jit3A, %jit3A_6 : i32
    %lt3A_7 = arith.constant 2 : i32
    %lt3A_8 = arith.cmpi slt, %add3A_4, %lt3A_7 : i32
    %mul3A_9 = arith.muli %add3A_4, %select_n3A : i32
    %mul3A_10 = arith.constant 39 : i32
    %mul3A_11 = arith.muli %add3A_4, %mul3A_10 : i32
    %add3A_12 = arith.constant 2 : i32
    %add3A_13 = arith.addi %mul3A_11, %add3A_12 : i32
    %select_n3A_14 = arith.select %lt3A_8, %mul3A_9, %add3A_13 : i32
    %mul3A_15 = arith.constant 1 : i32
    %mul3A_16 = arith.muli %mul3A_15, %select_n3A : i32
    "tpu.region"() ({
      %run_scoped3A = memref.alloca() : memref<2x1x128xi32, #tpu.memory_space<vmem>>
      %run_scoped3A_17 = tpu.sem_alloc : memref<2x!tpu.dma_semaphore, #tpu.memory_space<semaphore_mem>>
      %run_scoped3A_18 = memref.alloca() : memref<2x128x32xf32, #tpu.memory_space<vmem>>
      %run_scoped3A_19 = tpu.sem_alloc : memref<2x!tpu.dma_semaphore, #tpu.memory_space<semaphore_mem>>
      %gt3A = arith.constant 0 : i32
      %gt3A_20 = arith.cmpi sgt, %mul3A_16, %gt3A : i32
      %convert_element_type3A = arith.extui %gt3A_20 : i1 to i32
      %cond3A = arith.constant 0 : i32
      %cond3A_21 = arith.cmpi ne, %convert_element_type3A, %cond3A : i32
      scf.if %cond3A_21 {
        %mul3A_22 = arith.constant 1 : i32
        %mul3A_23 = arith.muli %mul3A_22, %select_n3A : i32
        %sub3A = arith.constant 1 : i32
        %sub3A_24 = arith.subi %mul3A_23, %sub3A : i32
        %eq3A = arith.constant 0 : i32
        %eq3A_25 = arith.cmpi eq, %sub3A_24, %eq3A : i32
        %add3A_26 = arith.constant 0 : i32
        %add3A_27 = arith.addi %add3A_26, %select_n3A_14 : i32
        %select_n3A_28 = arith.constant true
        %select_n3A_29 = arith.constant 0 : i32
        %select_n3A_30 = arith.constant -1 : i32
        %select_n3A_31 = arith.select %select_n3A_28, %select_n3A_30, %select_n3A_29 : i32
        %eq3A_32 = arith.constant -1 : i32
        %eq3A_33 = arith.cmpi eq, %select_n3A_31, %eq3A_32 : i32
        %sub3A_34 = arith.constant 1 : i32
        %sub3A_35 = arith.subi %select_n3A, %sub3A_34 : i32
        %select_n3A_36 = arith.select %eq3A_33, %sub3A_35, %select_n3A_31 : i32
        %add3A_37 = arith.addi %select_n3A_36, %select_n3A_14 : i32
        %select_n3A_38 = arith.constant true
        %select_n3A_39 = arith.constant 0 : i32
        %select_n3A_40 = arith.constant 1 : i32
        %select_n3A_41 = arith.select %select_n3A_38, %select_n3A_40, %select_n3A_39 : i32
        %eq3A_42 = arith.cmpi eq, %select_n3A_41, %select_n3A : i32
        %select_n3A_43 = arith.constant 0 : i32
        %select_n3A_44 = arith.select %eq3A_42, %select_n3A_43, %select_n3A_41 : i32
        %add3A_45 = arith.addi %select_n3A_44, %select_n3A_14 : i32
        %add3A_46 = arith.constant 1 : i32
        %add3A_47 = arith.addi %select_n3A_44, %add3A_46 : i32
        %select_n3A_48 = arith.constant true
        %select_n3A_49 = arith.select %select_n3A_48, %add3A_47, %select_n3A_44 : i32
        %eq3A_50 = arith.cmpi eq, %select_n3A_49, %select_n3A : i32
        %select_n3A_51 = arith.constant 0 : i32
        %select_n3A_52 = arith.select %eq3A_50, %select_n3A_51, %select_n3A_49 : i32
        %add3A_53 = arith.addi %select_n3A_52, %select_n3A_14 : i32
        "tpu.trace_start"() <{level = 10 : i32, message = "ep_initialize_0"}> : () -> ()
        %rem3A = arith.constant 0 : i32
        %rem3A_54 = arith.constant 2 : i32
        %rem3A_55 = arith.remui %rem3A, %rem3A_54 : i32
        %mul3A_56 = arith.constant 128 : i32
        %mul3A_57 = arith.muli %mul3A_56, %add3A_27 : i32
        %dma_start3A = arith.constant 0 : i32
        %dma_start3A_58 = arith.constant 0 : i32
        %dma_start3A_59 = tpu.memref_slice %run_scoped3A[%rem3A_55, %dma_start3A, %dma_start3A_58] : memref<2x1x128xi32, #tpu.memory_space<vmem>> -> memref<1x1x128xi32, #tpu.memory_space<vmem>>
        %dma_start3A_60 = tpu.memref_squeeze %dma_start3A_59 : memref<1x1x128xi32, #tpu.memory_space<vmem>> -> memref<1x128xi32, #tpu.memory_space<vmem>>
        %dma_start3A_61 = arith.constant 0 : i32
        %dma_start3A_62 = tpu.memref_slice %arg3[%dma_start3A_61, %mul3A_57] : memref<1x160000xi32, #tpu.memory_space<hbm>> -> memref<1x128xi32, #tpu.memory_space<hbm>>
        %dma_start3A_63 = tpu.memref_slice %run_scoped3A_17[%rem3A_55] : memref<2x!tpu.dma_semaphore, #tpu.memory_space<semaphore_mem>> -> memref<1x!tpu.dma_semaphore, #tpu.memory_space<semaphore_mem>>
        %dma_start3A_64 = tpu.memref_squeeze %dma_start3A_63 : memref<1x!tpu.dma_semaphore, #tpu.memory_space<semaphore_mem>> -> memref<!tpu.dma_semaphore, #tpu.memory_space<semaphore_mem>>
        %dma_start3A_65 = arith.constant 0 : i32
        %dma_start3A_66 = arith.constant 0 : i32
        %dma_start3A_67 = tpu.memref_slice %run_scoped3A[%rem3A_55, %dma_start3A_65, %dma_start3A_66] : memref<2x1x128xi32, #tpu.memory_space<vmem>> -> memref<1x1x128xi32, #tpu.memory_space<vmem>>
        %dma_start3A_68 = tpu.memref_squeeze %dma_start3A_67 : memref<1x1x128xi32, #tpu.memory_space<vmem>> -> memref<1x128xi32, #tpu.memory_space<vmem>>
        %dma_start3A_69 = arith.constant 0 : i32
        %dma_start3A_70 = tpu.memref_slice %arg3[%dma_start3A_69, %mul3A_57] : memref<1x160000xi32, #tpu.memory_space<hbm>> -> memref<1x128xi32, #tpu.memory_space<hbm>>
        tpu.enqueue_dma source(%dma_start3A_70 : memref<1x128xi32, #tpu.memory_space<hbm>>) target(%dma_start3A_68 : memref<1x128xi32, #tpu.memory_space<vmem>>) target_semaphore(%dma_start3A_64 : memref<!tpu.dma_semaphore, #tpu.memory_space<semaphore_mem>>)
        %add3A_71 = arith.constant 0 : i32
        %add3A_72 = arith.constant 1 : i32
        %add3A_73 = arith.addi %add3A_71, %add3A_72 : i32
        %select_n3A_74 = arith.constant true
        %select_n3A_75 = arith.constant 0 : i32
        %select_n3A_76 = arith.select %select_n3A_74, %add3A_73, %select_n3A_75 : i32
        %while3A = arith.constant 0 : i32
        %while3A_77 = arith.constant 0 : i32
        %while3A_78 = arith.constant 0 : i32
        %while3A_79 = arith.constant 0 : i32
        %while3A_80 = arith.constant 0 : i32
        "tpu.trace_stop"() : () -> ()
        %while3A_81 = arith.subi %mul3A_16, %while3A : i32
        %while3A_82 = arith.addi %while3A, %while3A_81 : i32
        %while3A_83 = arith.constant 1 : i32
        %while3A_84 = arith.divsi %while3A_81, %while3A_83 : i32
        %while3A_85 = arith.muli %while3A_84, %while3A_83 : i32
        %while3A_86 = arith.addi %while3A, %while3A_85 : i32
        %while3A_87 = arith.constant 1 : i32
        %while3A_88:5 = scf.for %while3A_142 = %while3A to %while3A_86 step %while3A_87 iter_args(%while3A_143 = %select_n3A_76, %while3A_144 = %while3A_77, %while3A_145 = %while3A_78, %while3A_146 = %while3A_79, %while3A_147 = %while3A_80) -> (i32, i32, i32, i32, i32)  : i32 {
          %mul3A_148 = arith.constant 1 : i32
          %mul3A_149 = arith.muli %mul3A_148, %select_n3A : i32
          %eq3A_150 = arith.constant 0 : i32
          %eq3A_151 = arith.cmpi eq, %while3A_142, %eq3A_150 : i32
          %sub3A_152 = arith.constant 1 : i32
          %sub3A_153 = arith.subi %mul3A_149, %sub3A_152 : i32
          %eq3A_154 = arith.cmpi eq, %while3A_142, %sub3A_153 : i32
          %add3A_155 = arith.addi %while3A_147, %select_n3A_14 : i32
          %sub3A_156 = arith.constant 1 : i32
          %sub3A_157 = arith.subi %while3A_147, %sub3A_156 : i32
          %select_n3A_158 = arith.constant true
          %select_n3A_159 = arith.select %select_n3A_158, %sub3A_157, %while3A_147 : i32
          %eq3A_160 = arith.constant -1 : i32
          %eq3A_161 = arith.cmpi eq, %select_n3A_159, %eq3A_160 : i32
          %sub3A_162 = arith.constant 1 : i32
          %sub3A_163 = arith.subi %select_n3A, %sub3A_162 : i32
          %select_n3A_164 = arith.select %eq3A_161, %sub3A_163, %select_n3A_159 : i32
          %add3A_165 = arith.addi %select_n3A_164, %select_n3A_14 : i32
          %add3A_166 = arith.constant 1 : i32
          %add3A_167 = arith.addi %while3A_147, %add3A_166 : i32
          %select_n3A_168 = arith.constant true
          %select_n3A_169 = arith.select %select_n3A_168, %add3A_167, %while3A_147 : i32
          %eq3A_170 = arith.cmpi eq, %select_n3A_169, %select_n3A : i32
          %select_n3A_171 = arith.constant 0 : i32
          %select_n3A_172 = arith.select %eq3A_170, %select_n3A_171, %select_n3A_169 : i32
          %add3A_173 = arith.addi %select_n3A_172, %select_n3A_14 : i32
          %add3A_174 = arith.constant 1 : i32
          %add3A_175 = arith.addi %select_n3A_172, %add3A_174 : i32
          %select_n3A_176 = arith.constant true
          %select_n3A_177 = arith.select %select_n3A_176, %add3A_175, %select_n3A_172 : i32
          %eq3A_178 = arith.cmpi eq, %select_n3A_177, %select_n3A : i32
          %select_n3A_179 = arith.constant 0 : i32
          %select_n3A_180 = arith.select %eq3A_178, %select_n3A_179, %select_n3A_177 : i32
          %add3A_181 = arith.addi %select_n3A_180, %select_n3A_14 : i32
          %ne3A = arith.cmpi ne, %add3A_155, %add3A_173 : i32
          %or3A = arith.constant false
          %or3A_182 = arith.ori %or3A, %ne3A : i1
          %sub3A_183 = arith.constant 2 : i32
          %sub3A_184 = arith.subi %mul3A_149, %sub3A_183 : i32
          %add3A_185 = arith.constant 1 : i32
          %add3A_186 = arith.addi %sub3A_184, %add3A_185 : i32
          %ge3A = arith.cmpi sge, %while3A_142, %add3A_186 : i32
          %not3A = arith.constant true
          %not3A_187 = arith.xori %ge3A, %not3A : i1
          %and3A = arith.andi %or3A_182, %not3A_187 : i1
          %convert_element_type3A_188 = arith.extui %and3A : i1 to i32
          %cond3A_189 = arith.constant 0 : i32
          %cond3A_190 = arith.cmpi ne, %convert_element_type3A_188, %cond3A_189 : i32
          scf.if %cond3A_190 {
            "tpu.trace_start"() <{level = 10 : i32, message = "ep_copy_in"}> : () -> ()
            %rem3A_294 = arith.constant 2 : i32
            %rem3A_295 = arith.remui %while3A_143, %rem3A_294 : i32
            %mul3A_296 = arith.constant 128 : i32
            %mul3A_297 = arith.muli %mul3A_296, %add3A_173 : i32
            %dma_start3A_298 = arith.constant 0 : i32
            %dma_start3A_299 = arith.constant 0 : i32
            %dma_start3A_300 = tpu.memref_slice %run_scoped3A[%rem3A_295, %dma_start3A_298, %dma_start3A_299] : memref<2x1x128xi32, #tpu.memory_space<vmem>> -> memref<1x1x128xi32, #tpu.memory_space<vmem>>
            %dma_start3A_301 = tpu.memref_squeeze %dma_start3A_300 : memref<1x1x128xi32, #tpu.memory_space<vmem>> -> memref<1x128xi32, #tpu.memory_space<vmem>>
            %dma_start3A_302 = arith.constant 0 : i32
            %dma_start3A_303 = tpu.memref_slice %arg3[%dma_start3A_302, %mul3A_297] : memref<1x160000xi32, #tpu.memory_space<hbm>> -> memref<1x128xi32, #tpu.memory_space<hbm>>
            %dma_start3A_304 = tpu.memref_slice %run_scoped3A_17[%rem3A_295] : memref<2x!tpu.dma_semaphore, #tpu.memory_space<semaphore_mem>> -> memref<1x!tpu.dma_semaphore, #tpu.memory_space<semaphore_mem>>
            %dma_start3A_305 = tpu.memref_squeeze %dma_start3A_304 : memref<1x!tpu.dma_semaphore, #tpu.memory_space<semaphore_mem>> -> memref<!tpu.dma_semaphore, #tpu.memory_space<semaphore_mem>>
            %dma_start3A_306 = arith.constant 0 : i32
            %dma_start3A_307 = arith.constant 0 : i32
            %dma_start3A_308 = tpu.memref_slice %run_scoped3A[%rem3A_295, %dma_start3A_306, %dma_start3A_307] : memref<2x1x128xi32, #tpu.memory_space<vmem>> -> memref<1x1x128xi32, #tpu.memory_space<vmem>>
            %dma_start3A_309 = tpu.memref_squeeze %dma_start3A_308 : memref<1x1x128xi32, #tpu.memory_space<vmem>> -> memref<1x128xi32, #tpu.memory_space<vmem>>
            %dma_start3A_310 = arith.constant 0 : i32
            %dma_start3A_311 = tpu.memref_slice %arg3[%dma_start3A_310, %mul3A_297] : memref<1x160000xi32, #tpu.memory_space<hbm>> -> memref<1x128xi32, #tpu.memory_space<hbm>>
            tpu.enqueue_dma source(%dma_start3A_311 : memref<1x128xi32, #tpu.memory_space<hbm>>) target(%dma_start3A_309 : memref<1x128xi32, #tpu.memory_space<vmem>>) target_semaphore(%dma_start3A_305 : memref<!tpu.dma_semaphore, #tpu.memory_space<semaphore_mem>>)
            "tpu.trace_stop"() : () -> ()
          } else {
          }
          %and3A_191 = arith.constant true
          %and3A_192 = arith.andi %and3A, %and3A_191 : i1
          %add3A_193 = arith.constant 1 : i32
          %add3A_194 = arith.addi %while3A_143, %add3A_193 : i32
          %select_n3A_195 = arith.select %and3A_192, %add3A_194, %while3A_143 : i32
          %ne3A_196 = arith.cmpi ne, %add3A_155, %add3A_173 : i32
          %or3A_197 = arith.constant false
          %or3A_198 = arith.ori %or3A_197, %ne3A_196 : i1
          %or3A_199 = arith.constant false
          %or3A_200 = arith.ori %or3A_198, %or3A_199 : i1
          %sub3A_201 = arith.constant 2 : i32
          %sub3A_202 = arith.subi %mul3A_149, %sub3A_201 : i32
          %add3A_203 = arith.constant 1 : i32
          %add3A_204 = arith.addi %sub3A_202, %add3A_203 : i32
          %ge3A_205 = arith.cmpi sge, %while3A_142, %add3A_204 : i32
          %not3A_206 = arith.constant true
          %not3A_207 = arith.xori %ge3A_205, %not3A_206 : i1
          %and3A_208 = arith.andi %or3A_200, %not3A_207 : i1
          %ne3A_209 = arith.cmpi ne, %add3A_155, %add3A_165 : i32
          %or3A_210 = arith.constant false
          %or3A_211 = arith.ori %or3A_210, %ne3A_209 : i1
          %or3A_212 = arith.ori %or3A_211, %eq3A_151 : i1
          %convert_element_type3A_213 = arith.extui %or3A_212 : i1 to i32
          %cond3A_214 = arith.constant 0 : i32
          %cond3A_215 = arith.cmpi ne, %convert_element_type3A_213, %cond3A_214 : i32
          scf.if %cond3A_215 {
            "tpu.trace_start"() <{level = 10 : i32, message = "ep_wait_in"}> : () -> ()
            %mul3A_294 = arith.constant 128 : i32
            %mul3A_295 = arith.muli %mul3A_294, %add3A_155 : i32
            %rem3A_296 = arith.constant 2 : i32
            %rem3A_297 = arith.remui %while3A_144, %rem3A_296 : i32
            %dma_wait3A = arith.constant 0 : i32
            %dma_wait3A_298 = arith.constant 0 : i32
            %dma_wait3A_299 = tpu.memref_slice %run_scoped3A[%rem3A_297, %dma_wait3A, %dma_wait3A_298] : memref<2x1x128xi32, #tpu.memory_space<vmem>> -> memref<1x1x128xi32, #tpu.memory_space<vmem>>
            %dma_wait3A_300 = tpu.memref_squeeze %dma_wait3A_299 : memref<1x1x128xi32, #tpu.memory_space<vmem>> -> memref<1x128xi32, #tpu.memory_space<vmem>>
            %dma_wait3A_301 = arith.constant 0 : i32
            %dma_wait3A_302 = tpu.memref_slice %arg3[%dma_wait3A_301, %mul3A_295] : memref<1x160000xi32, #tpu.memory_space<hbm>> -> memref<1x128xi32, #tpu.memory_space<hbm>>
            %dma_wait3A_303 = tpu.memref_slice %run_scoped3A_17[%rem3A_297] : memref<2x!tpu.dma_semaphore, #tpu.memory_space<semaphore_mem>> -> memref<1x!tpu.dma_semaphore, #tpu.memory_space<semaphore_mem>>
            %dma_wait3A_304 = tpu.memref_squeeze %dma_wait3A_303 : memref<1x!tpu.dma_semaphore, #tpu.memory_space<semaphore_mem>> -> memref<!tpu.dma_semaphore, #tpu.memory_space<semaphore_mem>>
            %dma_wait3A_305 = arith.constant 0 : i32
            %dma_wait3A_306 = arith.constant 0 : i32
            %dma_wait3A_307 = tpu.memref_slice %run_scoped3A[%rem3A_297, %dma_wait3A_305, %dma_wait3A_306] : memref<2x1x128xi32, #tpu.memory_space<vmem>> -> memref<1x1x128xi32, #tpu.memory_space<vmem>>
            %dma_wait3A_308 = tpu.memref_squeeze %dma_wait3A_307 : memref<1x1x128xi32, #tpu.memory_space<vmem>> -> memref<1x128xi32, #tpu.memory_space<vmem>>
            %dma_wait3A_309 = arith.constant 0 : i32
            %dma_wait3A_310 = tpu.memref_slice %arg3[%dma_wait3A_309, %mul3A_295] : memref<1x160000xi32, #tpu.memory_space<hbm>> -> memref<1x128xi32, #tpu.memory_space<hbm>>
            tpu.wait_dma2 semaphore(%dma_wait3A_304 : memref<!tpu.dma_semaphore, #tpu.memory_space<semaphore_mem>>) src(%dma_wait3A_310 : memref<1x128xi32, #tpu.memory_space<hbm>>) dst(%dma_wait3A_308 : memref<1x128xi32, #tpu.memory_space<vmem>>)
            "tpu.trace_stop"() : () -> ()
          } else {
          }
          %ne3A_216 = arith.cmpi ne, %add3A_155, %add3A_165 : i32
          %or3A_217 = arith.constant false
          %or3A_218 = arith.ori %or3A_217, %ne3A_216 : i1
          %or3A_219 = arith.constant false
          %or3A_220 = arith.ori %or3A_218, %or3A_219 : i1
          %or3A_221 = arith.ori %or3A_220, %eq3A_151 : i1
          %convert_element_type3A_222 = arith.extui %or3A_221 : i1 to i32
          %cond3A_223 = arith.constant 0 : i32
          %cond3A_224 = arith.cmpi ne, %convert_element_type3A_222, %cond3A_223 : i32
          scf.if %cond3A_224 {
          } else {
          }
          %rem3A_225 = arith.constant 2 : i32
          %rem3A_226 = arith.remui %while3A_144, %rem3A_225 : i32
          %rem3A_227 = arith.constant 2 : i32
          %rem3A_228 = arith.remui %while3A_145, %rem3A_227 : i32
          %run_scoped3A_229 = arith.constant 0 : i32
          "tpu.trace_start"() <{level = 10 : i32, message = "ep_run_kernel"}> : () -> ()
          "tpu.region"() ({
            %run_scoped3A_294 = tpu.sem_alloc : memref<!tpu.dma_semaphore, #tpu.memory_space<semaphore_mem>>
            %dma_start3A_295 = arith.constant 0 : i32
            %dma_start3A_296 = arith.constant 0 : i32
            %dma_start3A_297 = tpu.memref_slice %run_scoped3A_18[%rem3A_228, %dma_start3A_295, %dma_start3A_296] : memref<2x128x32xf32, #tpu.memory_space<vmem>> -> memref<1x128x32xf32, #tpu.memory_space<vmem>>
            %dma_start3A_298 = tpu.memref_squeeze %dma_start3A_297 : memref<1x128x32xf32, #tpu.memory_space<vmem>> -> memref<128x32xf32, #tpu.memory_space<vmem>>
            %dma_start3A_299 = arith.constant 0 : i32
            %dma_start3A_300 = arith.constant 0 : i32
            %dma_start3A_301 = tpu.memref_slice %run_scoped3A[%rem3A_226, %dma_start3A_299, %dma_start3A_300] : memref<2x1x128xi32, #tpu.memory_space<vmem>> -> memref<1x1x128xi32, #tpu.memory_space<vmem>>
            %dma_start3A_302 = tpu.memref_squeeze %dma_start3A_301 : memref<1x1x128xi32, #tpu.memory_space<vmem>> -> memref<1x128xi32, #tpu.memory_space<vmem>>
            %dma_start3A_303 = arith.constant 0 : i32
            %dma_start3A_304 = tpu.memref_slice %dma_start3A_302[%run_scoped3A_229, %dma_start3A_303] : memref<1x128xi32, #tpu.memory_space<vmem>> -> memref<1x128xi32, #tpu.memory_space<vmem>>
            %dma_start3A_305 = tpu.memref_squeeze %dma_start3A_304 : memref<1x128xi32, #tpu.memory_space<vmem>> -> memref<128xi32, #tpu.memory_space<vmem>>
            %dma_start3A_306 = arith.constant 0 : i32
            %dma_start3A_307 = arith.constant 0 : i32
            %dma_start3A_308 = tpu.memref_slice %arg2[%dma_start3A_306, %dma_start3A_307] : memref<10000x32xf32, #tpu.memory_space<hbm>> -> memref<10000x32xf32, #tpu.memory_space<hbm>>
            tpu.enqueue_indirect_dma source(%dma_start3A_308 : memref<10000x32xf32, #tpu.memory_space<hbm>>) target(%dma_start3A_298 : memref<128x32xf32, #tpu.memory_space<vmem>>) offsets(%dma_start3A_305 : memref<128xi32, #tpu.memory_space<vmem>>) semaphore(%run_scoped3A_294 : memref<!tpu.dma_semaphore, #tpu.memory_space<semaphore_mem>>)
            %dma_wait3A = arith.constant 0 : i32
            %dma_wait3A_309 = arith.constant 0 : i32
            %dma_wait3A_310 = tpu.memref_slice %run_scoped3A_18[%rem3A_228, %dma_wait3A, %dma_wait3A_309] : memref<2x128x32xf32, #tpu.memory_space<vmem>> -> memref<1x128x32xf32, #tpu.memory_space<vmem>>
            %dma_wait3A_311 = tpu.memref_squeeze %dma_wait3A_310 : memref<1x128x32xf32, #tpu.memory_space<vmem>> -> memref<128x32xf32, #tpu.memory_space<vmem>>
            %dma_wait3A_312 = arith.constant 0 : i32
            %dma_wait3A_313 = arith.constant 0 : i32
            %dma_wait3A_314 = tpu.memref_slice %run_scoped3A[%rem3A_226, %dma_wait3A_312, %dma_wait3A_313] : memref<2x1x128xi32, #tpu.memory_space<vmem>> -> memref<1x1x128xi32, #tpu.memory_space<vmem>>
            %dma_wait3A_315 = tpu.memref_squeeze %dma_wait3A_314 : memref<1x1x128xi32, #tpu.memory_space<vmem>> -> memref<1x128xi32, #tpu.memory_space<vmem>>
            %dma_wait3A_316 = arith.constant 0 : i32
            %dma_wait3A_317 = tpu.memref_slice %dma_wait3A_315[%run_scoped3A_229, %dma_wait3A_316] : memref<1x128xi32, #tpu.memory_space<vmem>> -> memref<1x128xi32, #tpu.memory_space<vmem>>
            %dma_wait3A_318 = tpu.memref_squeeze %dma_wait3A_317 : memref<1x128xi32, #tpu.memory_space<vmem>> -> memref<128xi32, #tpu.memory_space<vmem>>
            %dma_wait3A_319 = arith.constant 0 : i32
            %dma_wait3A_320 = arith.constant 0 : i32
            %dma_wait3A_321 = tpu.memref_slice %arg2[%dma_wait3A_319, %dma_wait3A_320] : memref<10000x32xf32, #tpu.memory_space<hbm>> -> memref<10000x32xf32, #tpu.memory_space<hbm>>
            tpu.wait_indirect_dma semaphore(%run_scoped3A_294 : memref<!tpu.dma_semaphore, #tpu.memory_space<semaphore_mem>>) src(%dma_wait3A_321 : memref<10000x32xf32, #tpu.memory_space<hbm>>) dst(%dma_wait3A_311 : memref<128x32xf32, #tpu.memory_space<vmem>>)
            tpu.yield
          }) : () -> ()
          "tpu.trace_stop"() : () -> ()
          %ne3A_230 = arith.cmpi ne, %add3A_155, %add3A_173 : i32
          %or3A_231 = arith.constant false
          %or3A_232 = arith.ori %or3A_231, %ne3A_230 : i1
          %or3A_233 = arith.ori %or3A_232, %eq3A_154 : i1
          %convert_element_type3A_234 = arith.extui %or3A_233 : i1 to i32
          %cond3A_235 = arith.constant 0 : i32
          %cond3A_236 = arith.cmpi ne, %convert_element_type3A_234, %cond3A_235 : i32
          scf.if %cond3A_236 {
          } else {
          }
          %and3A_237 = arith.constant false
          %and3A_238 = arith.andi %or3A_233, %and3A_237 : i1
          %ne3A_239 = arith.cmpi ne, %add3A_155, %add3A_173 : i32
          %or3A_240 = arith.constant false
          %or3A_241 = arith.ori %or3A_240, %ne3A_239 : i1
          %or3A_242 = arith.constant false
          %or3A_243 = arith.ori %or3A_241, %or3A_242 : i1
          %or3A_244 = arith.ori %or3A_243, %eq3A_154 : i1
          %convert_element_type3A_245 = arith.extui %or3A_244 : i1 to i32
          %cond3A_246 = arith.constant 0 : i32
          %cond3A_247 = arith.cmpi ne, %convert_element_type3A_245, %cond3A_246 : i32
          scf.if %cond3A_247 {
            "tpu.trace_start"() <{level = 10 : i32, message = "ep_copy_out"}> : () -> ()
            %rem3A_294 = arith.constant 2 : i32
            %rem3A_295 = arith.remui %while3A_145, %rem3A_294 : i32
            %mul3A_296 = arith.constant 128 : i32
            %mul3A_297 = arith.muli %mul3A_296, %add3A_155 : i32
            %dma_start3A_298 = arith.constant 0 : i32
            %dma_start3A_299 = arith.constant 0 : i32
            %dma_start3A_300 = tpu.memref_slice %run_scoped3A_18[%rem3A_295, %dma_start3A_298, %dma_start3A_299] : memref<2x128x32xf32, #tpu.memory_space<vmem>> -> memref<1x128x32xf32, #tpu.memory_space<vmem>>
            %dma_start3A_301 = tpu.memref_squeeze %dma_start3A_300 : memref<1x128x32xf32, #tpu.memory_space<vmem>> -> memref<128x32xf32, #tpu.memory_space<vmem>>
            %dma_start3A_302 = arith.constant 0 : i32
            %dma_start3A_303 = tpu.memref_slice %arg4[%mul3A_297, %dma_start3A_302] : memref<160000x32xf32, #tpu.memory_space<hbm>> -> memref<128x32xf32, #tpu.memory_space<hbm>>
            %dma_start3A_304 = tpu.memref_slice %run_scoped3A_19[%rem3A_295] : memref<2x!tpu.dma_semaphore, #tpu.memory_space<semaphore_mem>> -> memref<1x!tpu.dma_semaphore, #tpu.memory_space<semaphore_mem>>
            %dma_start3A_305 = tpu.memref_squeeze %dma_start3A_304 : memref<1x!tpu.dma_semaphore, #tpu.memory_space<semaphore_mem>> -> memref<!tpu.dma_semaphore, #tpu.memory_space<semaphore_mem>>
            %dma_start3A_306 = arith.constant 0 : i32
            %dma_start3A_307 = tpu.memref_slice %arg4[%mul3A_297, %dma_start3A_306] : memref<160000x32xf32, #tpu.memory_space<hbm>> -> memref<128x32xf32, #tpu.memory_space<hbm>>
            %dma_start3A_308 = arith.constant 0 : i32
            %dma_start3A_309 = arith.constant 0 : i32
            %dma_start3A_310 = tpu.memref_slice %run_scoped3A_18[%rem3A_295, %dma_start3A_308, %dma_start3A_309] : memref<2x128x32xf32, #tpu.memory_space<vmem>> -> memref<1x128x32xf32, #tpu.memory_space<vmem>>
            %dma_start3A_311 = tpu.memref_squeeze %dma_start3A_310 : memref<1x128x32xf32, #tpu.memory_space<vmem>> -> memref<128x32xf32, #tpu.memory_space<vmem>>
            tpu.enqueue_dma source(%dma_start3A_311 : memref<128x32xf32, #tpu.memory_space<vmem>>) target(%dma_start3A_307 : memref<128x32xf32, #tpu.memory_space<hbm>>) target_semaphore(%dma_start3A_305 : memref<!tpu.dma_semaphore, #tpu.memory_space<semaphore_mem>>)
            "tpu.trace_stop"() : () -> ()
          } else {
          }
          %and3A_248 = arith.constant true
          %and3A_249 = arith.andi %or3A_244, %and3A_248 : i1
          %add3A_250 = arith.constant 1 : i32
          %add3A_251 = arith.addi %while3A_145, %add3A_250 : i32
          %select_n3A_252 = arith.select %and3A_249, %add3A_251, %while3A_145 : i32
          %ne3A_253 = arith.cmpi ne, %add3A_155, %add3A_165 : i32
          %or3A_254 = arith.constant false
          %or3A_255 = arith.ori %or3A_254, %ne3A_253 : i1
          %not3A_256 = arith.constant true
          %not3A_257 = arith.xori %eq3A_151, %not3A_256 : i1
          %and3A_258 = arith.andi %or3A_255, %not3A_257 : i1
          %convert_element_type3A_259 = arith.extui %and3A_258 : i1 to i32
          %cond3A_260 = arith.constant 0 : i32
          %cond3A_261 = arith.cmpi ne, %convert_element_type3A_259, %cond3A_260 : i32
          scf.if %cond3A_261 {
          } else {
          }
          %and3A_262 = arith.constant false
          %and3A_263 = arith.andi %and3A_258, %and3A_262 : i1
          %ne3A_264 = arith.cmpi ne, %add3A_155, %add3A_165 : i32
          %or3A_265 = arith.constant false
          %or3A_266 = arith.ori %or3A_265, %ne3A_264 : i1
          %or3A_267 = arith.constant false
          %or3A_268 = arith.ori %or3A_266, %or3A_267 : i1
          %not3A_269 = arith.constant true
          %not3A_270 = arith.xori %eq3A_151, %not3A_269 : i1
          %and3A_271 = arith.andi %or3A_268, %not3A_270 : i1
          %convert_element_type3A_272 = arith.extui %and3A_271 : i1 to i32
          %cond3A_273 = arith.constant 0 : i32
          %cond3A_274 = arith.cmpi ne, %convert_element_type3A_272, %cond3A_273 : i32
          scf.if %cond3A_274 {
            "tpu.trace_start"() <{level = 10 : i32, message = "ep_wait_out"}> : () -> ()
            %rem3A_294 = arith.constant 2 : i32
            %rem3A_295 = arith.remui %while3A_146, %rem3A_294 : i32
            %mul3A_296 = arith.constant 128 : i32
            %mul3A_297 = arith.muli %mul3A_296, %add3A_165 : i32
            %dma_wait3A = arith.constant 0 : i32
            %dma_wait3A_298 = arith.constant 0 : i32
            %dma_wait3A_299 = tpu.memref_slice %run_scoped3A_18[%rem3A_295, %dma_wait3A, %dma_wait3A_298] : memref<2x128x32xf32, #tpu.memory_space<vmem>> -> memref<1x128x32xf32, #tpu.memory_space<vmem>>
            %dma_wait3A_300 = tpu.memref_squeeze %dma_wait3A_299 : memref<1x128x32xf32, #tpu.memory_space<vmem>> -> memref<128x32xf32, #tpu.memory_space<vmem>>
            %dma_wait3A_301 = arith.constant 0 : i32
            %dma_wait3A_302 = tpu.memref_slice %arg4[%mul3A_297, %dma_wait3A_301] : memref<160000x32xf32, #tpu.memory_space<hbm>> -> memref<128x32xf32, #tpu.memory_space<hbm>>
            %dma_wait3A_303 = tpu.memref_slice %run_scoped3A_19[%rem3A_295] : memref<2x!tpu.dma_semaphore, #tpu.memory_space<semaphore_mem>> -> memref<1x!tpu.dma_semaphore, #tpu.memory_space<semaphore_mem>>
            %dma_wait3A_304 = tpu.memref_squeeze %dma_wait3A_303 : memref<1x!tpu.dma_semaphore, #tpu.memory_space<semaphore_mem>> -> memref<!tpu.dma_semaphore, #tpu.memory_space<semaphore_mem>>
            %dma_wait3A_305 = arith.constant 0 : i32
            %dma_wait3A_306 = tpu.memref_slice %arg4[%mul3A_297, %dma_wait3A_305] : memref<160000x32xf32, #tpu.memory_space<hbm>> -> memref<128x32xf32, #tpu.memory_space<hbm>>
            %dma_wait3A_307 = arith.constant 0 : i32
            %dma_wait3A_308 = arith.constant 0 : i32
            %dma_wait3A_309 = tpu.memref_slice %run_scoped3A_18[%rem3A_295, %dma_wait3A_307, %dma_wait3A_308] : memref<2x128x32xf32, #tpu.memory_space<vmem>> -> memref<1x128x32xf32, #tpu.memory_space<vmem>>
            %dma_wait3A_310 = tpu.memref_squeeze %dma_wait3A_309 : memref<1x128x32xf32, #tpu.memory_space<vmem>> -> memref<128x32xf32, #tpu.memory_space<vmem>>
            tpu.wait_dma2 semaphore(%dma_wait3A_304 : memref<!tpu.dma_semaphore, #tpu.memory_space<semaphore_mem>>) src(%dma_wait3A_310 : memref<128x32xf32, #tpu.memory_space<vmem>>) dst(%dma_wait3A_306 : memref<128x32xf32, #tpu.memory_space<hbm>>)
            "tpu.trace_stop"() : () -> ()
          } else {
          }
          %and3A_275 = arith.constant true
          %and3A_276 = arith.andi %and3A_271, %and3A_275 : i1
          %add3A_277 = arith.constant 1 : i32
          %add3A_278 = arith.addi %while3A_146, %add3A_277 : i32
          %select_n3A_279 = arith.select %and3A_276, %add3A_278, %while3A_146 : i32
          %ne3A_280 = arith.cmpi ne, %add3A_155, %add3A_173 : i32
          %or3A_281 = arith.constant false
          %or3A_282 = arith.ori %or3A_281, %ne3A_280 : i1
          %or3A_283 = arith.ori %or3A_282, %eq3A_154 : i1
          %add3A_284 = arith.constant 1 : i32
          %add3A_285 = arith.addi %while3A_144, %add3A_284 : i32
          %select_n3A_286 = arith.select %or3A_283, %add3A_285, %while3A_144 : i32
          %add3A_287 = arith.constant 1 : i32
          %add3A_288 = arith.addi %while3A_147, %add3A_287 : i32
          %select_n3A_289 = arith.constant true
          %select_n3A_290 = arith.select %select_n3A_289, %add3A_288, %while3A_147 : i32
          %eq3A_291 = arith.cmpi eq, %select_n3A_290, %select_n3A : i32
          %select_n3A_292 = arith.constant 0 : i32
          %select_n3A_293 = arith.select %eq3A_291, %select_n3A_292, %select_n3A_290 : i32
          scf.yield %select_n3A_195, %select_n3A_286, %select_n3A_252, %select_n3A_279, %select_n3A_293 : i32, i32, i32, i32, i32
        }
        %while3A_89 = arith.constant 1 : i32
        %while3A_90:5 = scf.for %while3A_142 = %while3A_86 to %while3A_82 step %while3A_89 iter_args(%while3A_143 = %while3A_88#0, %while3A_144 = %while3A_88#1, %while3A_145 = %while3A_88#2, %while3A_146 = %while3A_88#3, %while3A_147 = %while3A_88#4) -> (i32, i32, i32, i32, i32)  : i32 {
          %mul3A_148 = arith.constant 1 : i32
          %mul3A_149 = arith.muli %mul3A_148, %select_n3A : i32
          %eq3A_150 = arith.constant 0 : i32
          %eq3A_151 = arith.cmpi eq, %while3A_142, %eq3A_150 : i32
          %sub3A_152 = arith.constant 1 : i32
          %sub3A_153 = arith.subi %mul3A_149, %sub3A_152 : i32
          %eq3A_154 = arith.cmpi eq, %while3A_142, %sub3A_153 : i32
          %add3A_155 = arith.addi %while3A_147, %select_n3A_14 : i32
          %sub3A_156 = arith.constant 1 : i32
          %sub3A_157 = arith.subi %while3A_147, %sub3A_156 : i32
          %select_n3A_158 = arith.constant true
          %select_n3A_159 = arith.select %select_n3A_158, %sub3A_157, %while3A_147 : i32
          %eq3A_160 = arith.constant -1 : i32
          %eq3A_161 = arith.cmpi eq, %select_n3A_159, %eq3A_160 : i32
          %sub3A_162 = arith.constant 1 : i32
          %sub3A_163 = arith.subi %select_n3A, %sub3A_162 : i32
          %select_n3A_164 = arith.select %eq3A_161, %sub3A_163, %select_n3A_159 : i32
          %add3A_165 = arith.addi %select_n3A_164, %select_n3A_14 : i32
          %add3A_166 = arith.constant 1 : i32
          %add3A_167 = arith.addi %while3A_147, %add3A_166 : i32
          %select_n3A_168 = arith.constant true
          %select_n3A_169 = arith.select %select_n3A_168, %add3A_167, %while3A_147 : i32
          %eq3A_170 = arith.cmpi eq, %select_n3A_169, %select_n3A : i32
          %select_n3A_171 = arith.constant 0 : i32
          %select_n3A_172 = arith.select %eq3A_170, %select_n3A_171, %select_n3A_169 : i32
          %add3A_173 = arith.addi %select_n3A_172, %select_n3A_14 : i32
          %add3A_174 = arith.constant 1 : i32
          %add3A_175 = arith.addi %select_n3A_172, %add3A_174 : i32
          %select_n3A_176 = arith.constant true
          %select_n3A_177 = arith.select %select_n3A_176, %add3A_175, %select_n3A_172 : i32
          %eq3A_178 = arith.cmpi eq, %select_n3A_177, %select_n3A : i32
          %select_n3A_179 = arith.constant 0 : i32
          %select_n3A_180 = arith.select %eq3A_178, %select_n3A_179, %select_n3A_177 : i32
          %add3A_181 = arith.addi %select_n3A_180, %select_n3A_14 : i32
          %ne3A = arith.cmpi ne, %add3A_155, %add3A_173 : i32
          %or3A = arith.constant false
          %or3A_182 = arith.ori %or3A, %ne3A : i1
          %sub3A_183 = arith.constant 2 : i32
          %sub3A_184 = arith.subi %mul3A_149, %sub3A_183 : i32
          %add3A_185 = arith.constant 1 : i32
          %add3A_186 = arith.addi %sub3A_184, %add3A_185 : i32
          %ge3A = arith.cmpi sge, %while3A_142, %add3A_186 : i32
          %not3A = arith.constant true
          %not3A_187 = arith.xori %ge3A, %not3A : i1
          %and3A = arith.andi %or3A_182, %not3A_187 : i1
          %convert_element_type3A_188 = arith.extui %and3A : i1 to i32
          %cond3A_189 = arith.constant 0 : i32
          %cond3A_190 = arith.cmpi ne, %convert_element_type3A_188, %cond3A_189 : i32
          scf.if %cond3A_190 {
            "tpu.trace_start"() <{level = 10 : i32, message = "ep_copy_in"}> : () -> ()
            %rem3A_294 = arith.constant 2 : i32
            %rem3A_295 = arith.remui %while3A_143, %rem3A_294 : i32
            %mul3A_296 = arith.constant 128 : i32
            %mul3A_297 = arith.muli %mul3A_296, %add3A_173 : i32
            %dma_start3A_298 = arith.constant 0 : i32
            %dma_start3A_299 = arith.constant 0 : i32
            %dma_start3A_300 = tpu.memref_slice %run_scoped3A[%rem3A_295, %dma_start3A_298, %dma_start3A_299] : memref<2x1x128xi32, #tpu.memory_space<vmem>> -> memref<1x1x128xi32, #tpu.memory_space<vmem>>
            %dma_start3A_301 = tpu.memref_squeeze %dma_start3A_300 : memref<1x1x128xi32, #tpu.memory_space<vmem>> -> memref<1x128xi32, #tpu.memory_space<vmem>>
            %dma_start3A_302 = arith.constant 0 : i32
            %dma_start3A_303 = tpu.memref_slice %arg3[%dma_start3A_302, %mul3A_297] : memref<1x160000xi32, #tpu.memory_space<hbm>> -> memref<1x128xi32, #tpu.memory_space<hbm>>
            %dma_start3A_304 = tpu.memref_slice %run_scoped3A_17[%rem3A_295] : memref<2x!tpu.dma_semaphore, #tpu.memory_space<semaphore_mem>> -> memref<1x!tpu.dma_semaphore, #tpu.memory_space<semaphore_mem>>
            %dma_start3A_305 = tpu.memref_squeeze %dma_start3A_304 : memref<1x!tpu.dma_semaphore, #tpu.memory_space<semaphore_mem>> -> memref<!tpu.dma_semaphore, #tpu.memory_space<semaphore_mem>>
            %dma_start3A_306 = arith.constant 0 : i32
            %dma_start3A_307 = arith.constant 0 : i32
            %dma_start3A_308 = tpu.memref_slice %run_scoped3A[%rem3A_295, %dma_start3A_306, %dma_start3A_307] : memref<2x1x128xi32, #tpu.memory_space<vmem>> -> memref<1x1x128xi32, #tpu.memory_space<vmem>>
            %dma_start3A_309 = tpu.memref_squeeze %dma_start3A_308 : memref<1x1x128xi32, #tpu.memory_space<vmem>> -> memref<1x128xi32, #tpu.memory_space<vmem>>
            %dma_start3A_310 = arith.constant 0 : i32
            %dma_start3A_311 = tpu.memref_slice %arg3[%dma_start3A_310, %mul3A_297] : memref<1x160000xi32, #tpu.memory_space<hbm>> -> memref<1x128xi32, #tpu.memory_space<hbm>>
            tpu.enqueue_dma source(%dma_start3A_311 : memref<1x128xi32, #tpu.memory_space<hbm>>) target(%dma_start3A_309 : memref<1x128xi32, #tpu.memory_space<vmem>>) target_semaphore(%dma_start3A_305 : memref<!tpu.dma_semaphore, #tpu.memory_space<semaphore_mem>>)
            "tpu.trace_stop"() : () -> ()
          } else {
          }
          %and3A_191 = arith.constant true
          %and3A_192 = arith.andi %and3A, %and3A_191 : i1
          %add3A_193 = arith.constant 1 : i32
          %add3A_194 = arith.addi %while3A_143, %add3A_193 : i32
          %select_n3A_195 = arith.select %and3A_192, %add3A_194, %while3A_143 : i32
          %ne3A_196 = arith.cmpi ne, %add3A_155, %add3A_173 : i32
          %or3A_197 = arith.constant false
          %or3A_198 = arith.ori %or3A_197, %ne3A_196 : i1
          %or3A_199 = arith.constant false
          %or3A_200 = arith.ori %or3A_198, %or3A_199 : i1
          %sub3A_201 = arith.constant 2 : i32
          %sub3A_202 = arith.subi %mul3A_149, %sub3A_201 : i32
          %add3A_203 = arith.constant 1 : i32
          %add3A_204 = arith.addi %sub3A_202, %add3A_203 : i32
          %ge3A_205 = arith.cmpi sge, %while3A_142, %add3A_204 : i32
          %not3A_206 = arith.constant true
          %not3A_207 = arith.xori %ge3A_205, %not3A_206 : i1
          %and3A_208 = arith.andi %or3A_200, %not3A_207 : i1
          %ne3A_209 = arith.cmpi ne, %add3A_155, %add3A_165 : i32
          %or3A_210 = arith.constant false
          %or3A_211 = arith.ori %or3A_210, %ne3A_209 : i1
          %or3A_212 = arith.ori %or3A_211, %eq3A_151 : i1
          %convert_element_type3A_213 = arith.extui %or3A_212 : i1 to i32
          %cond3A_214 = arith.constant 0 : i32
          %cond3A_215 = arith.cmpi ne, %convert_element_type3A_213, %cond3A_214 : i32
          scf.if %cond3A_215 {
            "tpu.trace_start"() <{level = 10 : i32, message = "ep_wait_in"}> : () -> ()
            %mul3A_294 = arith.constant 128 : i32
            %mul3A_295 = arith.muli %mul3A_294, %add3A_155 : i32
            %rem3A_296 = arith.constant 2 : i32
            %rem3A_297 = arith.remui %while3A_144, %rem3A_296 : i32
            %dma_wait3A = arith.constant 0 : i32
            %dma_wait3A_298 = arith.constant 0 : i32
            %dma_wait3A_299 = tpu.memref_slice %run_scoped3A[%rem3A_297, %dma_wait3A, %dma_wait3A_298] : memref<2x1x128xi32, #tpu.memory_space<vmem>> -> memref<1x1x128xi32, #tpu.memory_space<vmem>>
            %dma_wait3A_300 = tpu.memref_squeeze %dma_wait3A_299 : memref<1x1x128xi32, #tpu.memory_space<vmem>> -> memref<1x128xi32, #tpu.memory_space<vmem>>
            %dma_wait3A_301 = arith.constant 0 : i32
            %dma_wait3A_302 = tpu.memref_slice %arg3[%dma_wait3A_301, %mul3A_295] : memref<1x160000xi32, #tpu.memory_space<hbm>> -> memref<1x128xi32, #tpu.memory_space<hbm>>
            %dma_wait3A_303 = tpu.memref_slice %run_scoped3A_17[%rem3A_297] : memref<2x!tpu.dma_semaphore, #tpu.memory_space<semaphore_mem>> -> memref<1x!tpu.dma_semaphore, #tpu.memory_space<semaphore_mem>>
            %dma_wait3A_304 = tpu.memref_squeeze %dma_wait3A_303 : memref<1x!tpu.dma_semaphore, #tpu.memory_space<semaphore_mem>> -> memref<!tpu.dma_semaphore, #tpu.memory_space<semaphore_mem>>
            %dma_wait3A_305 = arith.constant 0 : i32
            %dma_wait3A_306 = arith.constant 0 : i32
            %dma_wait3A_307 = tpu.memref_slice %run_scoped3A[%rem3A_297, %dma_wait3A_305, %dma_wait3A_306] : memref<2x1x128xi32, #tpu.memory_space<vmem>> -> memref<1x1x128xi32, #tpu.memory_space<vmem>>
            %dma_wait3A_308 = tpu.memref_squeeze %dma_wait3A_307 : memref<1x1x128xi32, #tpu.memory_space<vmem>> -> memref<1x128xi32, #tpu.memory_space<vmem>>
            %dma_wait3A_309 = arith.constant 0 : i32
            %dma_wait3A_310 = tpu.memref_slice %arg3[%dma_wait3A_309, %mul3A_295] : memref<1x160000xi32, #tpu.memory_space<hbm>> -> memref<1x128xi32, #tpu.memory_space<hbm>>
            tpu.wait_dma2 semaphore(%dma_wait3A_304 : memref<!tpu.dma_semaphore, #tpu.memory_space<semaphore_mem>>) src(%dma_wait3A_310 : memref<1x128xi32, #tpu.memory_space<hbm>>) dst(%dma_wait3A_308 : memref<1x128xi32, #tpu.memory_space<vmem>>)
            "tpu.trace_stop"() : () -> ()
          } else {
          }
          %ne3A_216 = arith.cmpi ne, %add3A_155, %add3A_165 : i32
          %or3A_217 = arith.constant false
          %or3A_218 = arith.ori %or3A_217, %ne3A_216 : i1
          %or3A_219 = arith.constant false
          %or3A_220 = arith.ori %or3A_218, %or3A_219 : i1
          %or3A_221 = arith.ori %or3A_220, %eq3A_151 : i1
          %convert_element_type3A_222 = arith.extui %or3A_221 : i1 to i32
          %cond3A_223 = arith.constant 0 : i32
          %cond3A_224 = arith.cmpi ne, %convert_element_type3A_222, %cond3A_223 : i32
          scf.if %cond3A_224 {
          } else {
          }
          %rem3A_225 = arith.constant 2 : i32
          %rem3A_226 = arith.remui %while3A_144, %rem3A_225 : i32
          %rem3A_227 = arith.constant 2 : i32
          %rem3A_228 = arith.remui %while3A_145, %rem3A_227 : i32
          %run_scoped3A_229 = arith.constant 0 : i32
          "tpu.trace_start"() <{level = 10 : i32, message = "ep_run_kernel"}> : () -> ()
          "tpu.region"() ({
            %run_scoped3A_294 = tpu.sem_alloc : memref<!tpu.dma_semaphore, #tpu.memory_space<semaphore_mem>>
            %dma_start3A_295 = arith.constant 0 : i32
            %dma_start3A_296 = arith.constant 0 : i32
            %dma_start3A_297 = tpu.memref_slice %run_scoped3A_18[%rem3A_228, %dma_start3A_295, %dma_start3A_296] : memref<2x128x32xf32, #tpu.memory_space<vmem>> -> memref<1x128x32xf32, #tpu.memory_space<vmem>>
            %dma_start3A_298 = tpu.memref_squeeze %dma_start3A_297 : memref<1x128x32xf32, #tpu.memory_space<vmem>> -> memref<128x32xf32, #tpu.memory_space<vmem>>
            %dma_start3A_299 = arith.constant 0 : i32
            %dma_start3A_300 = arith.constant 0 : i32
            %dma_start3A_301 = tpu.memref_slice %run_scoped3A[%rem3A_226, %dma_start3A_299, %dma_start3A_300] : memref<2x1x128xi32, #tpu.memory_space<vmem>> -> memref<1x1x128xi32, #tpu.memory_space<vmem>>
            %dma_start3A_302 = tpu.memref_squeeze %dma_start3A_301 : memref<1x1x128xi32, #tpu.memory_space<vmem>> -> memref<1x128xi32, #tpu.memory_space<vmem>>
            %dma_start3A_303 = arith.constant 0 : i32
            %dma_start3A_304 = tpu.memref_slice %dma_start3A_302[%run_scoped3A_229, %dma_start3A_303] : memref<1x128xi32, #tpu.memory_space<vmem>> -> memref<1x128xi32, #tpu.memory_space<vmem>>
            %dma_start3A_305 = tpu.memref_squeeze %dma_start3A_304 : memref<1x128xi32, #tpu.memory_space<vmem>> -> memref<128xi32, #tpu.memory_space<vmem>>
            %dma_start3A_306 = arith.constant 0 : i32
            %dma_start3A_307 = arith.constant 0 : i32
            %dma_start3A_308 = tpu.memref_slice %arg2[%dma_start3A_306, %dma_start3A_307] : memref<10000x32xf32, #tpu.memory_space<hbm>> -> memref<10000x32xf32, #tpu.memory_space<hbm>>
            tpu.enqueue_indirect_dma source(%dma_start3A_308 : memref<10000x32xf32, #tpu.memory_space<hbm>>) target(%dma_start3A_298 : memref<128x32xf32, #tpu.memory_space<vmem>>) offsets(%dma_start3A_305 : memref<128xi32, #tpu.memory_space<vmem>>) semaphore(%run_scoped3A_294 : memref<!tpu.dma_semaphore, #tpu.memory_space<semaphore_mem>>)
            %dma_wait3A = arith.constant 0 : i32
            %dma_wait3A_309 = arith.constant 0 : i32
            %dma_wait3A_310 = tpu.memref_slice %run_scoped3A_18[%rem3A_228, %dma_wait3A, %dma_wait3A_309] : memref<2x128x32xf32, #tpu.memory_space<vmem>> -> memref<1x128x32xf32, #tpu.memory_space<vmem>>
            %dma_wait3A_311 = tpu.memref_squeeze %dma_wait3A_310 : memref<1x128x32xf32, #tpu.memory_space<vmem>> -> memref<128x32xf32, #tpu.memory_space<vmem>>
            %dma_wait3A_312 = arith.constant 0 : i32
            %dma_wait3A_313 = arith.constant 0 : i32
            %dma_wait3A_314 = tpu.memref_slice %run_scoped3A[%rem3A_226, %dma_wait3A_312, %dma_wait3A_313] : memref<2x1x128xi32, #tpu.memory_space<vmem>> -> memref<1x1x128xi32, #tpu.memory_space<vmem>>
            %dma_wait3A_315 = tpu.memref_squeeze %dma_wait3A_314 : memref<1x1x128xi32, #tpu.memory_space<vmem>> -> memref<1x128xi32, #tpu.memory_space<vmem>>
            %dma_wait3A_316 = arith.constant 0 : i32
            %dma_wait3A_317 = tpu.memref_slice %dma_wait3A_315[%run_scoped3A_229, %dma_wait3A_316] : memref<1x128xi32, #tpu.memory_space<vmem>> -> memref<1x128xi32, #tpu.memory_space<vmem>>
            %dma_wait3A_318 = tpu.memref_squeeze %dma_wait3A_317 : memref<1x128xi32, #tpu.memory_space<vmem>> -> memref<128xi32, #tpu.memory_space<vmem>>
            %dma_wait3A_319 = arith.constant 0 : i32
            %dma_wait3A_320 = arith.constant 0 : i32
            %dma_wait3A_321 = tpu.memref_slice %arg2[%dma_wait3A_319, %dma_wait3A_320] : memref<10000x32xf32, #tpu.memory_space<hbm>> -> memref<10000x32xf32, #tpu.memory_space<hbm>>
            tpu.wait_indirect_dma semaphore(%run_scoped3A_294 : memref<!tpu.dma_semaphore, #tpu.memory_space<semaphore_mem>>) src(%dma_wait3A_321 : memref<10000x32xf32, #tpu.memory_space<hbm>>) dst(%dma_wait3A_311 : memref<128x32xf32, #tpu.memory_space<vmem>>)
            tpu.yield
          }) : () -> ()
          "tpu.trace_stop"() : () -> ()
          %ne3A_230 = arith.cmpi ne, %add3A_155, %add3A_173 : i32
          %or3A_231 = arith.constant false
          %or3A_232 = arith.ori %or3A_231, %ne3A_230 : i1
          %or3A_233 = arith.ori %or3A_232, %eq3A_154 : i1
          %convert_element_type3A_234 = arith.extui %or3A_233 : i1 to i32
          %cond3A_235 = arith.constant 0 : i32
          %cond3A_236 = arith.cmpi ne, %convert_element_type3A_234, %cond3A_235 : i32
          scf.if %cond3A_236 {
          } else {
          }
          %and3A_237 = arith.constant false
          %and3A_238 = arith.andi %or3A_233, %and3A_237 : i1
          %ne3A_239 = arith.cmpi ne, %add3A_155, %add3A_173 : i32
          %or3A_240 = arith.constant false
          %or3A_241 = arith.ori %or3A_240, %ne3A_239 : i1
          %or3A_242 = arith.constant false
          %or3A_243 = arith.ori %or3A_241, %or3A_242 : i1
          %or3A_244 = arith.ori %or3A_243, %eq3A_154 : i1
          %convert_element_type3A_245 = arith.extui %or3A_244 : i1 to i32
          %cond3A_246 = arith.constant 0 : i32
          %cond3A_247 = arith.cmpi ne, %convert_element_type3A_245, %cond3A_246 : i32
          scf.if %cond3A_247 {
            "tpu.trace_start"() <{level = 10 : i32, message = "ep_copy_out"}> : () -> ()
            %rem3A_294 = arith.constant 2 : i32
            %rem3A_295 = arith.remui %while3A_145, %rem3A_294 : i32
            %mul3A_296 = arith.constant 128 : i32
            %mul3A_297 = arith.muli %mul3A_296, %add3A_155 : i32
            %dma_start3A_298 = arith.constant 0 : i32
            %dma_start3A_299 = arith.constant 0 : i32
            %dma_start3A_300 = tpu.memref_slice %run_scoped3A_18[%rem3A_295, %dma_start3A_298, %dma_start3A_299] : memref<2x128x32xf32, #tpu.memory_space<vmem>> -> memref<1x128x32xf32, #tpu.memory_space<vmem>>
            %dma_start3A_301 = tpu.memref_squeeze %dma_start3A_300 : memref<1x128x32xf32, #tpu.memory_space<vmem>> -> memref<128x32xf32, #tpu.memory_space<vmem>>
            %dma_start3A_302 = arith.constant 0 : i32
            %dma_start3A_303 = tpu.memref_slice %arg4[%mul3A_297, %dma_start3A_302] : memref<160000x32xf32, #tpu.memory_space<hbm>> -> memref<128x32xf32, #tpu.memory_space<hbm>>
            %dma_start3A_304 = tpu.memref_slice %run_scoped3A_19[%rem3A_295] : memref<2x!tpu.dma_semaphore, #tpu.memory_space<semaphore_mem>> -> memref<1x!tpu.dma_semaphore, #tpu.memory_space<semaphore_mem>>
            %dma_start3A_305 = tpu.memref_squeeze %dma_start3A_304 : memref<1x!tpu.dma_semaphore, #tpu.memory_space<semaphore_mem>> -> memref<!tpu.dma_semaphore, #tpu.memory_space<semaphore_mem>>
            %dma_start3A_306 = arith.constant 0 : i32
            %dma_start3A_307 = tpu.memref_slice %arg4[%mul3A_297, %dma_start3A_306] : memref<160000x32xf32, #tpu.memory_space<hbm>> -> memref<128x32xf32, #tpu.memory_space<hbm>>
            %dma_start3A_308 = arith.constant 0 : i32
            %dma_start3A_309 = arith.constant 0 : i32
            %dma_start3A_310 = tpu.memref_slice %run_scoped3A_18[%rem3A_295, %dma_start3A_308, %dma_start3A_309] : memref<2x128x32xf32, #tpu.memory_space<vmem>> -> memref<1x128x32xf32, #tpu.memory_space<vmem>>
            %dma_start3A_311 = tpu.memref_squeeze %dma_start3A_310 : memref<1x128x32xf32, #tpu.memory_space<vmem>> -> memref<128x32xf32, #tpu.memory_space<vmem>>
            tpu.enqueue_dma source(%dma_start3A_311 : memref<128x32xf32, #tpu.memory_space<vmem>>) target(%dma_start3A_307 : memref<128x32xf32, #tpu.memory_space<hbm>>) target_semaphore(%dma_start3A_305 : memref<!tpu.dma_semaphore, #tpu.memory_space<semaphore_mem>>)
            "tpu.trace_stop"() : () -> ()
          } else {
          }
          %and3A_248 = arith.constant true
          %and3A_249 = arith.andi %or3A_244, %and3A_248 : i1
          %add3A_250 = arith.constant 1 : i32
          %add3A_251 = arith.addi %while3A_145, %add3A_250 : i32
          %select_n3A_252 = arith.select %and3A_249, %add3A_251, %while3A_145 : i32
          %ne3A_253 = arith.cmpi ne, %add3A_155, %add3A_165 : i32
          %or3A_254 = arith.constant false
          %or3A_255 = arith.ori %or3A_254, %ne3A_253 : i1
          %not3A_256 = arith.constant true
          %not3A_257 = arith.xori %eq3A_151, %not3A_256 : i1
          %and3A_258 = arith.andi %or3A_255, %not3A_257 : i1
          %convert_element_type3A_259 = arith.extui %and3A_258 : i1 to i32
          %cond3A_260 = arith.constant 0 : i32
          %cond3A_261 = arith.cmpi ne, %convert_element_type3A_259, %cond3A_260 : i32
          scf.if %cond3A_261 {
          } else {
          }
          %and3A_262 = arith.constant false
          %and3A_263 = arith.andi %and3A_258, %and3A_262 : i1
          %ne3A_264 = arith.cmpi ne, %add3A_155, %add3A_165 : i32
          %or3A_265 = arith.constant false
          %or3A_266 = arith.ori %or3A_265, %ne3A_264 : i1
          %or3A_267 = arith.constant false
          %or3A_268 = arith.ori %or3A_266, %or3A_267 : i1
          %not3A_269 = arith.constant true
          %not3A_270 = arith.xori %eq3A_151, %not3A_269 : i1
          %and3A_271 = arith.andi %or3A_268, %not3A_270 : i1
          %convert_element_type3A_272 = arith.extui %and3A_271 : i1 to i32
          %cond3A_273 = arith.constant 0 : i32
          %cond3A_274 = arith.cmpi ne, %convert_element_type3A_272, %cond3A_273 : i32
          scf.if %cond3A_274 {
            "tpu.trace_start"() <{level = 10 : i32, message = "ep_wait_out"}> : () -> ()
            %rem3A_294 = arith.constant 2 : i32
            %rem3A_295 = arith.remui %while3A_146, %rem3A_294 : i32
            %mul3A_296 = arith.constant 128 : i32
            %mul3A_297 = arith.muli %mul3A_296, %add3A_165 : i32
            %dma_wait3A = arith.constant 0 : i32
            %dma_wait3A_298 = arith.constant 0 : i32
            %dma_wait3A_299 = tpu.memref_slice %run_scoped3A_18[%rem3A_295, %dma_wait3A, %dma_wait3A_298] : memref<2x128x32xf32, #tpu.memory_space<vmem>> -> memref<1x128x32xf32, #tpu.memory_space<vmem>>
            %dma_wait3A_300 = tpu.memref_squeeze %dma_wait3A_299 : memref<1x128x32xf32, #tpu.memory_space<vmem>> -> memref<128x32xf32, #tpu.memory_space<vmem>>
            %dma_wait3A_301 = arith.constant 0 : i32
            %dma_wait3A_302 = tpu.memref_slice %arg4[%mul3A_297, %dma_wait3A_301] : memref<160000x32xf32, #tpu.memory_space<hbm>> -> memref<128x32xf32, #tpu.memory_space<hbm>>
            %dma_wait3A_303 = tpu.memref_slice %run_scoped3A_19[%rem3A_295] : memref<2x!tpu.dma_semaphore, #tpu.memory_space<semaphore_mem>> -> memref<1x!tpu.dma_semaphore, #tpu.memory_space<semaphore_mem>>
            %dma_wait3A_304 = tpu.memref_squeeze %dma_wait3A_303 : memref<1x!tpu.dma_semaphore, #tpu.memory_space<semaphore_mem>> -> memref<!tpu.dma_semaphore, #tpu.memory_space<semaphore_mem>>
            %dma_wait3A_305 = arith.constant 0 : i32
            %dma_wait3A_306 = tpu.memref_slice %arg4[%mul3A_297, %dma_wait3A_305] : memref<160000x32xf32, #tpu.memory_space<hbm>> -> memref<128x32xf32, #tpu.memory_space<hbm>>
            %dma_wait3A_307 = arith.constant 0 : i32
            %dma_wait3A_308 = arith.constant 0 : i32
            %dma_wait3A_309 = tpu.memref_slice %run_scoped3A_18[%rem3A_295, %dma_wait3A_307, %dma_wait3A_308] : memref<2x128x32xf32, #tpu.memory_space<vmem>> -> memref<1x128x32xf32, #tpu.memory_space<vmem>>
            %dma_wait3A_310 = tpu.memref_squeeze %dma_wait3A_309 : memref<1x128x32xf32, #tpu.memory_space<vmem>> -> memref<128x32xf32, #tpu.memory_space<vmem>>
            tpu.wait_dma2 semaphore(%dma_wait3A_304 : memref<!tpu.dma_semaphore, #tpu.memory_space<semaphore_mem>>) src(%dma_wait3A_310 : memref<128x32xf32, #tpu.memory_space<vmem>>) dst(%dma_wait3A_306 : memref<128x32xf32, #tpu.memory_space<hbm>>)
            "tpu.trace_stop"() : () -> ()
          } else {
          }
          %and3A_275 = arith.constant true
          %and3A_276 = arith.andi %and3A_271, %and3A_275 : i1
          %add3A_277 = arith.constant 1 : i32
          %add3A_278 = arith.addi %while3A_146, %add3A_277 : i32
          %select_n3A_279 = arith.select %and3A_276, %add3A_278, %while3A_146 : i32
          %ne3A_280 = arith.cmpi ne, %add3A_155, %add3A_173 : i32
          %or3A_281 = arith.constant false
          %or3A_282 = arith.ori %or3A_281, %ne3A_280 : i1
          %or3A_283 = arith.ori %or3A_282, %eq3A_154 : i1
          %add3A_284 = arith.constant 1 : i32
          %add3A_285 = arith.addi %while3A_144, %add3A_284 : i32
          %select_n3A_286 = arith.select %or3A_283, %add3A_285, %while3A_144 : i32
          %add3A_287 = arith.constant 1 : i32
          %add3A_288 = arith.addi %while3A_147, %add3A_287 : i32
          %select_n3A_289 = arith.constant true
          %select_n3A_290 = arith.select %select_n3A_289, %add3A_288, %while3A_147 : i32
          %eq3A_291 = arith.cmpi eq, %select_n3A_290, %select_n3A : i32
          %select_n3A_292 = arith.constant 0 : i32
          %select_n3A_293 = arith.select %eq3A_291, %select_n3A_292, %select_n3A_290 : i32
          scf.yield %select_n3A_195, %select_n3A_286, %select_n3A_252, %select_n3A_279, %select_n3A_293 : i32, i32, i32, i32, i32
        }
        %sub3A_91 = arith.constant 1 : i32
        %sub3A_92 = arith.subi %while3A_90#4, %sub3A_91 : i32
        %select_n3A_93 = arith.constant true
        %select_n3A_94 = arith.select %select_n3A_93, %sub3A_92, %while3A_90#4 : i32
        %eq3A_95 = arith.constant -1 : i32
        %eq3A_96 = arith.cmpi eq, %select_n3A_94, %eq3A_95 : i32
        %sub3A_97 = arith.constant 1 : i32
        %sub3A_98 = arith.subi %select_n3A, %sub3A_97 : i32
        %select_n3A_99 = arith.select %eq3A_96, %sub3A_98, %select_n3A_94 : i32
        %sub3A_100 = arith.constant 1 : i32
        %sub3A_101 = arith.subi %mul3A_16, %sub3A_100 : i32
        %mul3A_102 = arith.constant 1 : i32
        %mul3A_103 = arith.muli %mul3A_102, %select_n3A : i32
        %eq3A_104 = arith.constant 0 : i32
        %eq3A_105 = arith.cmpi eq, %sub3A_101, %eq3A_104 : i32
        %sub3A_106 = arith.constant 1 : i32
        %sub3A_107 = arith.subi %mul3A_103, %sub3A_106 : i32
        %eq3A_108 = arith.cmpi eq, %sub3A_101, %sub3A_107 : i32
        %add3A_109 = arith.addi %select_n3A_99, %select_n3A_14 : i32
        %sub3A_110 = arith.constant 1 : i32
        %sub3A_111 = arith.subi %select_n3A_99, %sub3A_110 : i32
        %select_n3A_112 = arith.constant true
        %select_n3A_113 = arith.select %select_n3A_112, %sub3A_111, %select_n3A_99 : i32
        %eq3A_114 = arith.constant -1 : i32
        %eq3A_115 = arith.cmpi eq, %select_n3A_113, %eq3A_114 : i32
        %sub3A_116 = arith.constant 1 : i32
        %sub3A_117 = arith.subi %select_n3A, %sub3A_116 : i32
        %select_n3A_118 = arith.select %eq3A_115, %sub3A_117, %select_n3A_113 : i32
        %add3A_119 = arith.addi %select_n3A_118, %select_n3A_14 : i32
        %add3A_120 = arith.constant 1 : i32
        %add3A_121 = arith.addi %select_n3A_99, %add3A_120 : i32
        %select_n3A_122 = arith.constant true
        %select_n3A_123 = arith.select %select_n3A_122, %add3A_121, %select_n3A_99 : i32
        %eq3A_124 = arith.cmpi eq, %select_n3A_123, %select_n3A : i32
        %select_n3A_125 = arith.constant 0 : i32
        %select_n3A_126 = arith.select %eq3A_124, %select_n3A_125, %select_n3A_123 : i32
        %add3A_127 = arith.addi %select_n3A_126, %select_n3A_14 : i32
        %add3A_128 = arith.constant 1 : i32
        %add3A_129 = arith.addi %select_n3A_126, %add3A_128 : i32
        %select_n3A_130 = arith.constant true
        %select_n3A_131 = arith.select %select_n3A_130, %add3A_129, %select_n3A_126 : i32
        %eq3A_132 = arith.cmpi eq, %select_n3A_131, %select_n3A : i32
        %select_n3A_133 = arith.constant 0 : i32
        %select_n3A_134 = arith.select %eq3A_132, %select_n3A_133, %select_n3A_131 : i32
        %add3A_135 = arith.addi %select_n3A_134, %select_n3A_14 : i32
        %convert_element_type3A_136 = arith.extui %eq3A_108 : i1 to i32
        %cond3A_137 = arith.constant 0 : i32
        %cond3A_138 = arith.cmpi ne, %convert_element_type3A_136, %cond3A_137 : i32
        scf.if %cond3A_138 {
        } else {
        }
        %convert_element_type3A_139 = arith.extui %eq3A_108 : i1 to i32
        %cond3A_140 = arith.constant 0 : i32
        %cond3A_141 = arith.cmpi ne, %convert_element_type3A_139, %cond3A_140 : i32
        scf.if %cond3A_141 {
          "tpu.trace_start"() <{level = 10 : i32, message = "ep_finalize"}> : () -> ()
          %rem3A_142 = arith.constant 2 : i32
          %rem3A_143 = arith.remui %while3A_90#3, %rem3A_142 : i32
          %mul3A_144 = arith.constant 128 : i32
          %mul3A_145 = arith.muli %mul3A_144, %add3A_109 : i32
          %dma_wait3A = arith.constant 0 : i32
          %dma_wait3A_146 = arith.constant 0 : i32
          %dma_wait3A_147 = tpu.memref_slice %run_scoped3A_18[%rem3A_143, %dma_wait3A, %dma_wait3A_146] : memref<2x128x32xf32, #tpu.memory_space<vmem>> -> memref<1x128x32xf32, #tpu.memory_space<vmem>>
          %dma_wait3A_148 = tpu.memref_squeeze %dma_wait3A_147 : memref<1x128x32xf32, #tpu.memory_space<vmem>> -> memref<128x32xf32, #tpu.memory_space<vmem>>
          %dma_wait3A_149 = arith.constant 0 : i32
          %dma_wait3A_150 = tpu.memref_slice %arg4[%mul3A_145, %dma_wait3A_149] : memref<160000x32xf32, #tpu.memory_space<hbm>> -> memref<128x32xf32, #tpu.memory_space<hbm>>
          %dma_wait3A_151 = tpu.memref_slice %run_scoped3A_19[%rem3A_143] : memref<2x!tpu.dma_semaphore, #tpu.memory_space<semaphore_mem>> -> memref<1x!tpu.dma_semaphore, #tpu.memory_space<semaphore_mem>>
          %dma_wait3A_152 = tpu.memref_squeeze %dma_wait3A_151 : memref<1x!tpu.dma_semaphore, #tpu.memory_space<semaphore_mem>> -> memref<!tpu.dma_semaphore, #tpu.memory_space<semaphore_mem>>
          %dma_wait3A_153 = arith.constant 0 : i32
          %dma_wait3A_154 = tpu.memref_slice %arg4[%mul3A_145, %dma_wait3A_153] : memref<160000x32xf32, #tpu.memory_space<hbm>> -> memref<128x32xf32, #tpu.memory_space<hbm>>
          %dma_wait3A_155 = arith.constant 0 : i32
          %dma_wait3A_156 = arith.constant 0 : i32
          %dma_wait3A_157 = tpu.memref_slice %run_scoped3A_18[%rem3A_143, %dma_wait3A_155, %dma_wait3A_156] : memref<2x128x32xf32, #tpu.memory_space<vmem>> -> memref<1x128x32xf32, #tpu.memory_space<vmem>>
          %dma_wait3A_158 = tpu.memref_squeeze %dma_wait3A_157 : memref<1x128x32xf32, #tpu.memory_space<vmem>> -> memref<128x32xf32, #tpu.memory_space<vmem>>
          tpu.wait_dma2 semaphore(%dma_wait3A_152 : memref<!tpu.dma_semaphore, #tpu.memory_space<semaphore_mem>>) src(%dma_wait3A_158 : memref<128x32xf32, #tpu.memory_space<vmem>>) dst(%dma_wait3A_154 : memref<128x32xf32, #tpu.memory_space<hbm>>)
          "tpu.trace_stop"() : () -> ()
        } else {
        }
      } else {
      }
      tpu.yield
    }) : () -> ()
    return
  }
}

#map = affine_map<(d0, d1) -> (0, 0)>
#map1 = affine_map<(d0, d1) -> (0, 0, 0)>
module attributes {stable_mosaic.version = 14 : i64} {
  func.func @scatter_kernel(%arg0: i32, %arg1: i32, %arg2: memref<160000x32xf32, #tpu.memory_space<hbm>>, %arg3: memref<1x160000xi32, #tpu.memory_space<hbm>>, %arg4: memref<625x32xf32, #tpu.memory_space<hbm>>, %arg5: memref<2x10000x32xf32, #tpu.memory_space<hbm>>, %arg6: memref<10000x32xf32, #tpu.memory_space<vmem_shared>>) attributes {dimension_semantics = [#tpu.dimension_semantics<core_parallel>, #tpu.dimension_semantics<subcore_parallel>], iteration_bounds = array<i64: 2, 16>, scalar_prefetch = 0 : i64, scratch_operands = 1 : i64, tpu.core_type = #tpu.core_type<sc_vector_subcore>, window_params = [{transform_indices = #map}, {transform_indices = #map}, {transform_indices = #map}, {transform_indices = #map1}]} {
    %mul3A = arith.constant 625 : i32
    %mul3A_0 = arith.muli %arg1, %mul3A : i32
    "tpu.region"() ({
      %run_scoped3A = tpu.sem_alloc : memref<!tpu.dma_semaphore, #tpu.memory_space<semaphore_mem>>
      %dma_start3A = arith.constant 0 : i32
      %dma_start3A_24 = tpu.memref_slice %arg6[%mul3A_0, %dma_start3A] : memref<10000x32xf32, #tpu.memory_space<vmem_shared>> -> memref<625x32xf32, #tpu.memory_space<vmem_shared>>
      tpu.enqueue_dma source(%arg4 : memref<625x32xf32, #tpu.memory_space<hbm>>) target(%dma_start3A_24 : memref<625x32xf32, #tpu.memory_space<vmem_shared>>) target_semaphore(%run_scoped3A : memref<!tpu.dma_semaphore, #tpu.memory_space<semaphore_mem>>)
      %dma_wait3A = arith.constant 0 : i32
      %dma_wait3A_25 = tpu.memref_slice %arg6[%mul3A_0, %dma_wait3A] : memref<10000x32xf32, #tpu.memory_space<vmem_shared>> -> memref<625x32xf32, #tpu.memory_space<vmem_shared>>
      tpu.wait_dma2 semaphore(%run_scoped3A : memref<!tpu.dma_semaphore, #tpu.memory_space<semaphore_mem>>) src(%arg4 : memref<625x32xf32, #tpu.memory_space<hbm>>) dst(%dma_wait3A_25 : memref<625x32xf32, #tpu.memory_space<vmem_shared>>)
      tpu.yield
    }) : () -> ()
    %barrier3A = arith.constant 0 : index
    tpu.barrier barrier_id(%barrier3A)
    %mul3A_1 = arith.constant 1 : i32
    %mul3A_2 = arith.muli %arg1, %mul3A_1 : i32
    %add3A = arith.constant 0 : i32
    %add3A_3 = arith.addi %add3A, %mul3A_2 : i32
    %mul3A_4 = arith.constant 16 : i32
    %mul3A_5 = arith.muli %arg0, %mul3A_4 : i32
    %add3A_6 = arith.addi %add3A_3, %mul3A_5 : i32
    %lt3A = arith.constant 2 : i32
    %lt3A_7 = arith.cmpi slt, %add3A_6, %lt3A : i32
    %jit3A = arith.constant 40 : i32
    %jit3A_8 = arith.constant 39 : i32
    %select_n3A = arith.select %lt3A_7, %jit3A, %jit3A_8 : i32
    %lt3A_9 = arith.constant 2 : i32
    %lt3A_10 = arith.cmpi slt, %add3A_6, %lt3A_9 : i32
    %mul3A_11 = arith.muli %add3A_6, %select_n3A : i32
    %mul3A_12 = arith.constant 39 : i32
    %mul3A_13 = arith.muli %add3A_6, %mul3A_12 : i32
    %add3A_14 = arith.constant 2 : i32
    %add3A_15 = arith.addi %mul3A_13, %add3A_14 : i32
    %select_n3A_16 = arith.select %lt3A_10, %mul3A_11, %add3A_15 : i32
    %mul3A_17 = arith.constant 1 : i32
    %mul3A_18 = arith.muli %mul3A_17, %select_n3A : i32
    "tpu.region"() ({
      %run_scoped3A = memref.alloca() : memref<2x128x32xf32, #tpu.memory_space<vmem>>
      %run_scoped3A_24 = tpu.sem_alloc : memref<2x!tpu.dma_semaphore, #tpu.memory_space<semaphore_mem>>
      %run_scoped3A_25 = memref.alloca() : memref<2x1x128xi32, #tpu.memory_space<vmem>>
      %run_scoped3A_26 = tpu.sem_alloc : memref<2x!tpu.dma_semaphore, #tpu.memory_space<semaphore_mem>>
      %gt3A = arith.constant 0 : i32
      %gt3A_27 = arith.cmpi sgt, %mul3A_18, %gt3A : i32
      %convert_element_type3A = arith.extui %gt3A_27 : i1 to i32
      %cond3A = arith.constant 0 : i32
      %cond3A_28 = arith.cmpi ne, %convert_element_type3A, %cond3A : i32
      scf.if %cond3A_28 {
        %mul3A_29 = arith.constant 1 : i32
        %mul3A_30 = arith.muli %mul3A_29, %select_n3A : i32
        %sub3A = arith.constant 1 : i32
        %sub3A_31 = arith.subi %mul3A_30, %sub3A : i32
        %eq3A = arith.constant 0 : i32
        %eq3A_32 = arith.cmpi eq, %sub3A_31, %eq3A : i32
        %add3A_33 = arith.constant 0 : i32
        %add3A_34 = arith.addi %add3A_33, %select_n3A_16 : i32
        %select_n3A_35 = arith.constant true
        %select_n3A_36 = arith.constant 0 : i32
        %select_n3A_37 = arith.constant -1 : i32
        %select_n3A_38 = arith.select %select_n3A_35, %select_n3A_37, %select_n3A_36 : i32
        %eq3A_39 = arith.constant -1 : i32
        %eq3A_40 = arith.cmpi eq, %select_n3A_38, %eq3A_39 : i32
        %sub3A_41 = arith.constant 1 : i32
        %sub3A_42 = arith.subi %select_n3A, %sub3A_41 : i32
        %select_n3A_43 = arith.select %eq3A_40, %sub3A_42, %select_n3A_38 : i32
        %add3A_44 = arith.addi %select_n3A_43, %select_n3A_16 : i32
        %select_n3A_45 = arith.constant true
        %select_n3A_46 = arith.constant 0 : i32
        %select_n3A_47 = arith.constant 1 : i32
        %select_n3A_48 = arith.select %select_n3A_45, %select_n3A_47, %select_n3A_46 : i32
        %eq3A_49 = arith.cmpi eq, %select_n3A_48, %select_n3A : i32
        %select_n3A_50 = arith.constant 0 : i32
        %select_n3A_51 = arith.select %eq3A_49, %select_n3A_50, %select_n3A_48 : i32
        %add3A_52 = arith.addi %select_n3A_51, %select_n3A_16 : i32
        %add3A_53 = arith.constant 1 : i32
        %add3A_54 = arith.addi %select_n3A_51, %add3A_53 : i32
        %select_n3A_55 = arith.constant true
        %select_n3A_56 = arith.select %select_n3A_55, %add3A_54, %select_n3A_51 : i32
        %eq3A_57 = arith.cmpi eq, %select_n3A_56, %select_n3A : i32
        %select_n3A_58 = arith.constant 0 : i32
        %select_n3A_59 = arith.select %eq3A_57, %select_n3A_58, %select_n3A_56 : i32
        %add3A_60 = arith.addi %select_n3A_59, %select_n3A_16 : i32
        "tpu.trace_start"() <{level = 10 : i32, message = "ep_initialize_0"}> : () -> ()
        %rem3A = arith.constant 0 : i32
        %rem3A_61 = arith.constant 2 : i32
        %rem3A_62 = arith.remui %rem3A, %rem3A_61 : i32
        %mul3A_63 = arith.constant 128 : i32
        %mul3A_64 = arith.muli %mul3A_63, %add3A_34 : i32
        %dma_start3A = arith.constant 0 : i32
        %dma_start3A_65 = arith.constant 0 : i32
        %dma_start3A_66 = tpu.memref_slice %run_scoped3A[%rem3A_62, %dma_start3A, %dma_start3A_65] : memref<2x128x32xf32, #tpu.memory_space<vmem>> -> memref<1x128x32xf32, #tpu.memory_space<vmem>>
        %dma_start3A_67 = tpu.memref_squeeze %dma_start3A_66 : memref<1x128x32xf32, #tpu.memory_space<vmem>> -> memref<128x32xf32, #tpu.memory_space<vmem>>
        %dma_start3A_68 = arith.constant 0 : i32
        %dma_start3A_69 = tpu.memref_slice %arg2[%mul3A_64, %dma_start3A_68] : memref<160000x32xf32, #tpu.memory_space<hbm>> -> memref<128x32xf32, #tpu.memory_space<hbm>>
        %dma_start3A_70 = tpu.memref_slice %run_scoped3A_24[%rem3A_62] : memref<2x!tpu.dma_semaphore, #tpu.memory_space<semaphore_mem>> -> memref<1x!tpu.dma_semaphore, #tpu.memory_space<semaphore_mem>>
        %dma_start3A_71 = tpu.memref_squeeze %dma_start3A_70 : memref<1x!tpu.dma_semaphore, #tpu.memory_space<semaphore_mem>> -> memref<!tpu.dma_semaphore, #tpu.memory_space<semaphore_mem>>
        %dma_start3A_72 = arith.constant 0 : i32
        %dma_start3A_73 = arith.constant 0 : i32
        %dma_start3A_74 = tpu.memref_slice %run_scoped3A[%rem3A_62, %dma_start3A_72, %dma_start3A_73] : memref<2x128x32xf32, #tpu.memory_space<vmem>> -> memref<1x128x32xf32, #tpu.memory_space<vmem>>
        %dma_start3A_75 = tpu.memref_squeeze %dma_start3A_74 : memref<1x128x32xf32, #tpu.memory_space<vmem>> -> memref<128x32xf32, #tpu.memory_space<vmem>>
        %dma_start3A_76 = arith.constant 0 : i32
        %dma_start3A_77 = tpu.memref_slice %arg2[%mul3A_64, %dma_start3A_76] : memref<160000x32xf32, #tpu.memory_space<hbm>> -> memref<128x32xf32, #tpu.memory_space<hbm>>
        tpu.enqueue_dma source(%dma_start3A_77 : memref<128x32xf32, #tpu.memory_space<hbm>>) target(%dma_start3A_75 : memref<128x32xf32, #tpu.memory_space<vmem>>) target_semaphore(%dma_start3A_71 : memref<!tpu.dma_semaphore, #tpu.memory_space<semaphore_mem>>)
        %add3A_78 = arith.constant 0 : i32
        %add3A_79 = arith.constant 1 : i32
        %add3A_80 = arith.addi %add3A_78, %add3A_79 : i32
        %select_n3A_81 = arith.constant true
        %select_n3A_82 = arith.constant 0 : i32
        %select_n3A_83 = arith.select %select_n3A_81, %add3A_80, %select_n3A_82 : i32
        %rem3A_84 = arith.constant 0 : i32
        %rem3A_85 = arith.constant 2 : i32
        %rem3A_86 = arith.remui %rem3A_84, %rem3A_85 : i32
        %mul3A_87 = arith.constant 128 : i32
        %mul3A_88 = arith.muli %mul3A_87, %add3A_34 : i32
        %dma_start3A_89 = arith.constant 0 : i32
        %dma_start3A_90 = arith.constant 0 : i32
        %dma_start3A_91 = tpu.memref_slice %run_scoped3A_25[%rem3A_86, %dma_start3A_89, %dma_start3A_90] : memref<2x1x128xi32, #tpu.memory_space<vmem>> -> memref<1x1x128xi32, #tpu.memory_space<vmem>>
        %dma_start3A_92 = tpu.memref_squeeze %dma_start3A_91 : memref<1x1x128xi32, #tpu.memory_space<vmem>> -> memref<1x128xi32, #tpu.memory_space<vmem>>
        %dma_start3A_93 = arith.constant 0 : i32
        %dma_start3A_94 = tpu.memref_slice %arg3[%dma_start3A_93, %mul3A_88] : memref<1x160000xi32, #tpu.memory_space<hbm>> -> memref<1x128xi32, #tpu.memory_space<hbm>>
        %dma_start3A_95 = tpu.memref_slice %run_scoped3A_26[%rem3A_86] : memref<2x!tpu.dma_semaphore, #tpu.memory_space<semaphore_mem>> -> memref<1x!tpu.dma_semaphore, #tpu.memory_space<semaphore_mem>>
        %dma_start3A_96 = tpu.memref_squeeze %dma_start3A_95 : memref<1x!tpu.dma_semaphore, #tpu.memory_space<semaphore_mem>> -> memref<!tpu.dma_semaphore, #tpu.memory_space<semaphore_mem>>
        %dma_start3A_97 = arith.constant 0 : i32
        %dma_start3A_98 = arith.constant 0 : i32
        %dma_start3A_99 = tpu.memref_slice %run_scoped3A_25[%rem3A_86, %dma_start3A_97, %dma_start3A_98] : memref<2x1x128xi32, #tpu.memory_space<vmem>> -> memref<1x1x128xi32, #tpu.memory_space<vmem>>
        %dma_start3A_100 = tpu.memref_squeeze %dma_start3A_99 : memref<1x1x128xi32, #tpu.memory_space<vmem>> -> memref<1x128xi32, #tpu.memory_space<vmem>>
        %dma_start3A_101 = arith.constant 0 : i32
        %dma_start3A_102 = tpu.memref_slice %arg3[%dma_start3A_101, %mul3A_88] : memref<1x160000xi32, #tpu.memory_space<hbm>> -> memref<1x128xi32, #tpu.memory_space<hbm>>
        tpu.enqueue_dma source(%dma_start3A_102 : memref<1x128xi32, #tpu.memory_space<hbm>>) target(%dma_start3A_100 : memref<1x128xi32, #tpu.memory_space<vmem>>) target_semaphore(%dma_start3A_96 : memref<!tpu.dma_semaphore, #tpu.memory_space<semaphore_mem>>)
        %add3A_103 = arith.constant 0 : i32
        %add3A_104 = arith.constant 1 : i32
        %add3A_105 = arith.addi %add3A_103, %add3A_104 : i32
        %select_n3A_106 = arith.constant true
        %select_n3A_107 = arith.constant 0 : i32
        %select_n3A_108 = arith.select %select_n3A_106, %add3A_105, %select_n3A_107 : i32
        %while3A = arith.constant 0 : i32
        %while3A_109 = arith.constant 0 : i32
        %while3A_110 = arith.constant 0 : i32
        %while3A_111 = arith.constant 0 : i32
        "tpu.trace_stop"() : () -> ()
        %while3A_112 = arith.subi %mul3A_18, %while3A : i32
        %while3A_113 = arith.addi %while3A, %while3A_112 : i32
        %while3A_114 = arith.constant 1 : i32
        %while3A_115 = arith.divsi %while3A_112, %while3A_114 : i32
        %while3A_116 = arith.muli %while3A_115, %while3A_114 : i32
        %while3A_117 = arith.addi %while3A, %while3A_116 : i32
        %while3A_118 = arith.constant 1 : i32
        %while3A_119:5 = scf.for %while3A_173 = %while3A to %while3A_117 step %while3A_118 iter_args(%while3A_174 = %select_n3A_83, %while3A_175 = %while3A_109, %while3A_176 = %select_n3A_108, %while3A_177 = %while3A_110, %while3A_178 = %while3A_111) -> (i32, i32, i32, i32, i32)  : i32 {
          %mul3A_179 = arith.constant 1 : i32
          %mul3A_180 = arith.muli %mul3A_179, %select_n3A : i32
          %eq3A_181 = arith.constant 0 : i32
          %eq3A_182 = arith.cmpi eq, %while3A_173, %eq3A_181 : i32
          %sub3A_183 = arith.constant 1 : i32
          %sub3A_184 = arith.subi %mul3A_180, %sub3A_183 : i32
          %eq3A_185 = arith.cmpi eq, %while3A_173, %sub3A_184 : i32
          %add3A_186 = arith.addi %while3A_178, %select_n3A_16 : i32
          %sub3A_187 = arith.constant 1 : i32
          %sub3A_188 = arith.subi %while3A_178, %sub3A_187 : i32
          %select_n3A_189 = arith.constant true
          %select_n3A_190 = arith.select %select_n3A_189, %sub3A_188, %while3A_178 : i32
          %eq3A_191 = arith.constant -1 : i32
          %eq3A_192 = arith.cmpi eq, %select_n3A_190, %eq3A_191 : i32
          %sub3A_193 = arith.constant 1 : i32
          %sub3A_194 = arith.subi %select_n3A, %sub3A_193 : i32
          %select_n3A_195 = arith.select %eq3A_192, %sub3A_194, %select_n3A_190 : i32
          %add3A_196 = arith.addi %select_n3A_195, %select_n3A_16 : i32
          %add3A_197 = arith.constant 1 : i32
          %add3A_198 = arith.addi %while3A_178, %add3A_197 : i32
          %select_n3A_199 = arith.constant true
          %select_n3A_200 = arith.select %select_n3A_199, %add3A_198, %while3A_178 : i32
          %eq3A_201 = arith.cmpi eq, %select_n3A_200, %select_n3A : i32
          %select_n3A_202 = arith.constant 0 : i32
          %select_n3A_203 = arith.select %eq3A_201, %select_n3A_202, %select_n3A_200 : i32
          %add3A_204 = arith.addi %select_n3A_203, %select_n3A_16 : i32
          %add3A_205 = arith.constant 1 : i32
          %add3A_206 = arith.addi %select_n3A_203, %add3A_205 : i32
          %select_n3A_207 = arith.constant true
          %select_n3A_208 = arith.select %select_n3A_207, %add3A_206, %select_n3A_203 : i32
          %eq3A_209 = arith.cmpi eq, %select_n3A_208, %select_n3A : i32
          %select_n3A_210 = arith.constant 0 : i32
          %select_n3A_211 = arith.select %eq3A_209, %select_n3A_210, %select_n3A_208 : i32
          %add3A_212 = arith.addi %select_n3A_211, %select_n3A_16 : i32
          %ne3A = arith.cmpi ne, %add3A_186, %add3A_204 : i32
          %or3A = arith.constant false
          %or3A_213 = arith.ori %or3A, %ne3A : i1
          %or3A_214 = arith.constant false
          %or3A_215 = arith.ori %or3A_213, %or3A_214 : i1
          %sub3A_216 = arith.constant 2 : i32
          %sub3A_217 = arith.subi %mul3A_180, %sub3A_216 : i32
          %add3A_218 = arith.constant 1 : i32
          %add3A_219 = arith.addi %sub3A_217, %add3A_218 : i32
          %ge3A = arith.cmpi sge, %while3A_173, %add3A_219 : i32
          %not3A = arith.constant true
          %not3A_220 = arith.xori %ge3A, %not3A : i1
          %and3A = arith.andi %or3A_215, %not3A_220 : i1
          %convert_element_type3A_221 = arith.extui %and3A : i1 to i32
          %cond3A_222 = arith.constant 0 : i32
          %cond3A_223 = arith.cmpi ne, %convert_element_type3A_221, %cond3A_222 : i32
          scf.if %cond3A_223 {
            "tpu.trace_start"() <{level = 10 : i32, message = "ep_copy_in"}> : () -> ()
            %rem3A_336 = arith.constant 2 : i32
            %rem3A_337 = arith.remui %while3A_174, %rem3A_336 : i32
            %mul3A_338 = arith.constant 128 : i32
            %mul3A_339 = arith.muli %mul3A_338, %add3A_204 : i32
            %dma_start3A_340 = arith.constant 0 : i32
            %dma_start3A_341 = arith.constant 0 : i32
            %dma_start3A_342 = tpu.memref_slice %run_scoped3A[%rem3A_337, %dma_start3A_340, %dma_start3A_341] : memref<2x128x32xf32, #tpu.memory_space<vmem>> -> memref<1x128x32xf32, #tpu.memory_space<vmem>>
            %dma_start3A_343 = tpu.memref_squeeze %dma_start3A_342 : memref<1x128x32xf32, #tpu.memory_space<vmem>> -> memref<128x32xf32, #tpu.memory_space<vmem>>
            %dma_start3A_344 = arith.constant 0 : i32
            %dma_start3A_345 = tpu.memref_slice %arg2[%mul3A_339, %dma_start3A_344] : memref<160000x32xf32, #tpu.memory_space<hbm>> -> memref<128x32xf32, #tpu.memory_space<hbm>>
            %dma_start3A_346 = tpu.memref_slice %run_scoped3A_24[%rem3A_337] : memref<2x!tpu.dma_semaphore, #tpu.memory_space<semaphore_mem>> -> memref<1x!tpu.dma_semaphore, #tpu.memory_space<semaphore_mem>>
            %dma_start3A_347 = tpu.memref_squeeze %dma_start3A_346 : memref<1x!tpu.dma_semaphore, #tpu.memory_space<semaphore_mem>> -> memref<!tpu.dma_semaphore, #tpu.memory_space<semaphore_mem>>
            %dma_start3A_348 = arith.constant 0 : i32
            %dma_start3A_349 = arith.constant 0 : i32
            %dma_start3A_350 = tpu.memref_slice %run_scoped3A[%rem3A_337, %dma_start3A_348, %dma_start3A_349] : memref<2x128x32xf32, #tpu.memory_space<vmem>> -> memref<1x128x32xf32, #tpu.memory_space<vmem>>
            %dma_start3A_351 = tpu.memref_squeeze %dma_start3A_350 : memref<1x128x32xf32, #tpu.memory_space<vmem>> -> memref<128x32xf32, #tpu.memory_space<vmem>>
            %dma_start3A_352 = arith.constant 0 : i32
            %dma_start3A_353 = tpu.memref_slice %arg2[%mul3A_339, %dma_start3A_352] : memref<160000x32xf32, #tpu.memory_space<hbm>> -> memref<128x32xf32, #tpu.memory_space<hbm>>
            tpu.enqueue_dma source(%dma_start3A_353 : memref<128x32xf32, #tpu.memory_space<hbm>>) target(%dma_start3A_351 : memref<128x32xf32, #tpu.memory_space<vmem>>) target_semaphore(%dma_start3A_347 : memref<!tpu.dma_semaphore, #tpu.memory_space<semaphore_mem>>)
            "tpu.trace_stop"() : () -> ()
          } else {
          }
          %and3A_224 = arith.constant true
          %and3A_225 = arith.andi %and3A, %and3A_224 : i1
          %add3A_226 = arith.constant 1 : i32
          %add3A_227 = arith.addi %while3A_174, %add3A_226 : i32
          %select_n3A_228 = arith.select %and3A_225, %add3A_227, %while3A_174 : i32
          %ne3A_229 = arith.cmpi ne, %add3A_186, %add3A_204 : i32
          %or3A_230 = arith.constant false
          %or3A_231 = arith.ori %or3A_230, %ne3A_229 : i1
          %sub3A_232 = arith.constant 2 : i32
          %sub3A_233 = arith.subi %mul3A_180, %sub3A_232 : i32
          %add3A_234 = arith.constant 1 : i32
          %add3A_235 = arith.addi %sub3A_233, %add3A_234 : i32
          %ge3A_236 = arith.cmpi sge, %while3A_173, %add3A_235 : i32
          %not3A_237 = arith.constant true
          %not3A_238 = arith.xori %ge3A_236, %not3A_237 : i1
          %and3A_239 = arith.andi %or3A_231, %not3A_238 : i1
          %convert_element_type3A_240 = arith.extui %and3A_239 : i1 to i32
          %cond3A_241 = arith.constant 0 : i32
          %cond3A_242 = arith.cmpi ne, %convert_element_type3A_240, %cond3A_241 : i32
          scf.if %cond3A_242 {
            "tpu.trace_start"() <{level = 10 : i32, message = "ep_copy_in"}> : () -> ()
            %rem3A_336 = arith.constant 2 : i32
            %rem3A_337 = arith.remui %while3A_176, %rem3A_336 : i32
            %mul3A_338 = arith.constant 128 : i32
            %mul3A_339 = arith.muli %mul3A_338, %add3A_204 : i32
            %dma_start3A_340 = arith.constant 0 : i32
            %dma_start3A_341 = arith.constant 0 : i32
            %dma_start3A_342 = tpu.memref_slice %run_scoped3A_25[%rem3A_337, %dma_start3A_340, %dma_start3A_341] : memref<2x1x128xi32, #tpu.memory_space<vmem>> -> memref<1x1x128xi32, #tpu.memory_space<vmem>>
            %dma_start3A_343 = tpu.memref_squeeze %dma_start3A_342 : memref<1x1x128xi32, #tpu.memory_space<vmem>> -> memref<1x128xi32, #tpu.memory_space<vmem>>
            %dma_start3A_344 = arith.constant 0 : i32
            %dma_start3A_345 = tpu.memref_slice %arg3[%dma_start3A_344, %mul3A_339] : memref<1x160000xi32, #tpu.memory_space<hbm>> -> memref<1x128xi32, #tpu.memory_space<hbm>>
            %dma_start3A_346 = tpu.memref_slice %run_scoped3A_26[%rem3A_337] : memref<2x!tpu.dma_semaphore, #tpu.memory_space<semaphore_mem>> -> memref<1x!tpu.dma_semaphore, #tpu.memory_space<semaphore_mem>>
            %dma_start3A_347 = tpu.memref_squeeze %dma_start3A_346 : memref<1x!tpu.dma_semaphore, #tpu.memory_space<semaphore_mem>> -> memref<!tpu.dma_semaphore, #tpu.memory_space<semaphore_mem>>
            %dma_start3A_348 = arith.constant 0 : i32
            %dma_start3A_349 = arith.constant 0 : i32
            %dma_start3A_350 = tpu.memref_slice %run_scoped3A_25[%rem3A_337, %dma_start3A_348, %dma_start3A_349] : memref<2x1x128xi32, #tpu.memory_space<vmem>> -> memref<1x1x128xi32, #tpu.memory_space<vmem>>
            %dma_start3A_351 = tpu.memref_squeeze %dma_start3A_350 : memref<1x1x128xi32, #tpu.memory_space<vmem>> -> memref<1x128xi32, #tpu.memory_space<vmem>>
            %dma_start3A_352 = arith.constant 0 : i32
            %dma_start3A_353 = tpu.memref_slice %arg3[%dma_start3A_352, %mul3A_339] : memref<1x160000xi32, #tpu.memory_space<hbm>> -> memref<1x128xi32, #tpu.memory_space<hbm>>
            tpu.enqueue_dma source(%dma_start3A_353 : memref<1x128xi32, #tpu.memory_space<hbm>>) target(%dma_start3A_351 : memref<1x128xi32, #tpu.memory_space<vmem>>) target_semaphore(%dma_start3A_347 : memref<!tpu.dma_semaphore, #tpu.memory_space<semaphore_mem>>)
            "tpu.trace_stop"() : () -> ()
          } else {
          }
          %and3A_243 = arith.constant true
          %and3A_244 = arith.andi %and3A_239, %and3A_243 : i1
          %add3A_245 = arith.constant 1 : i32
          %add3A_246 = arith.addi %while3A_176, %add3A_245 : i32
          %select_n3A_247 = arith.select %and3A_244, %add3A_246, %while3A_176 : i32
          %ne3A_248 = arith.cmpi ne, %add3A_186, %add3A_196 : i32
          %or3A_249 = arith.constant false
          %or3A_250 = arith.ori %or3A_249, %ne3A_248 : i1
          %or3A_251 = arith.constant false
          %or3A_252 = arith.ori %or3A_250, %or3A_251 : i1
          %or3A_253 = arith.ori %or3A_252, %eq3A_182 : i1
          %convert_element_type3A_254 = arith.extui %or3A_253 : i1 to i32
          %cond3A_255 = arith.constant 0 : i32
          %cond3A_256 = arith.cmpi ne, %convert_element_type3A_254, %cond3A_255 : i32
          scf.if %cond3A_256 {
            "tpu.trace_start"() <{level = 10 : i32, message = "ep_wait_in"}> : () -> ()
            %mul3A_336 = arith.constant 128 : i32
            %mul3A_337 = arith.muli %mul3A_336, %add3A_186 : i32
            %rem3A_338 = arith.constant 2 : i32
            %rem3A_339 = arith.remui %while3A_175, %rem3A_338 : i32
            %dma_wait3A = arith.constant 0 : i32
            %dma_wait3A_340 = arith.constant 0 : i32
            %dma_wait3A_341 = tpu.memref_slice %run_scoped3A[%rem3A_339, %dma_wait3A, %dma_wait3A_340] : memref<2x128x32xf32, #tpu.memory_space<vmem>> -> memref<1x128x32xf32, #tpu.memory_space<vmem>>
            %dma_wait3A_342 = tpu.memref_squeeze %dma_wait3A_341 : memref<1x128x32xf32, #tpu.memory_space<vmem>> -> memref<128x32xf32, #tpu.memory_space<vmem>>
            %dma_wait3A_343 = arith.constant 0 : i32
            %dma_wait3A_344 = tpu.memref_slice %arg2[%mul3A_337, %dma_wait3A_343] : memref<160000x32xf32, #tpu.memory_space<hbm>> -> memref<128x32xf32, #tpu.memory_space<hbm>>
            %dma_wait3A_345 = tpu.memref_slice %run_scoped3A_24[%rem3A_339] : memref<2x!tpu.dma_semaphore, #tpu.memory_space<semaphore_mem>> -> memref<1x!tpu.dma_semaphore, #tpu.memory_space<semaphore_mem>>
            %dma_wait3A_346 = tpu.memref_squeeze %dma_wait3A_345 : memref<1x!tpu.dma_semaphore, #tpu.memory_space<semaphore_mem>> -> memref<!tpu.dma_semaphore, #tpu.memory_space<semaphore_mem>>
            %dma_wait3A_347 = arith.constant 0 : i32
            %dma_wait3A_348 = arith.constant 0 : i32
            %dma_wait3A_349 = tpu.memref_slice %run_scoped3A[%rem3A_339, %dma_wait3A_347, %dma_wait3A_348] : memref<2x128x32xf32, #tpu.memory_space<vmem>> -> memref<1x128x32xf32, #tpu.memory_space<vmem>>
            %dma_wait3A_350 = tpu.memref_squeeze %dma_wait3A_349 : memref<1x128x32xf32, #tpu.memory_space<vmem>> -> memref<128x32xf32, #tpu.memory_space<vmem>>
            %dma_wait3A_351 = arith.constant 0 : i32
            %dma_wait3A_352 = tpu.memref_slice %arg2[%mul3A_337, %dma_wait3A_351] : memref<160000x32xf32, #tpu.memory_space<hbm>> -> memref<128x32xf32, #tpu.memory_space<hbm>>
            tpu.wait_dma2 semaphore(%dma_wait3A_346 : memref<!tpu.dma_semaphore, #tpu.memory_space<semaphore_mem>>) src(%dma_wait3A_352 : memref<128x32xf32, #tpu.memory_space<hbm>>) dst(%dma_wait3A_350 : memref<128x32xf32, #tpu.memory_space<vmem>>)
            "tpu.trace_stop"() : () -> ()
          } else {
          }
          %ne3A_257 = arith.cmpi ne, %add3A_186, %add3A_196 : i32
          %or3A_258 = arith.constant false
          %or3A_259 = arith.ori %or3A_258, %ne3A_257 : i1
          %or3A_260 = arith.ori %or3A_259, %eq3A_182 : i1
          %convert_element_type3A_261 = arith.extui %or3A_260 : i1 to i32
          %cond3A_262 = arith.constant 0 : i32
          %cond3A_263 = arith.cmpi ne, %convert_element_type3A_261, %cond3A_262 : i32
          scf.if %cond3A_263 {
            "tpu.trace_start"() <{level = 10 : i32, message = "ep_wait_in"}> : () -> ()
            %mul3A_336 = arith.constant 128 : i32
            %mul3A_337 = arith.muli %mul3A_336, %add3A_186 : i32
            %rem3A_338 = arith.constant 2 : i32
            %rem3A_339 = arith.remui %while3A_177, %rem3A_338 : i32
            %dma_wait3A = arith.constant 0 : i32
            %dma_wait3A_340 = arith.constant 0 : i32
            %dma_wait3A_341 = tpu.memref_slice %run_scoped3A_25[%rem3A_339, %dma_wait3A, %dma_wait3A_340] : memref<2x1x128xi32, #tpu.memory_space<vmem>> -> memref<1x1x128xi32, #tpu.memory_space<vmem>>
            %dma_wait3A_342 = tpu.memref_squeeze %dma_wait3A_341 : memref<1x1x128xi32, #tpu.memory_space<vmem>> -> memref<1x128xi32, #tpu.memory_space<vmem>>
            %dma_wait3A_343 = arith.constant 0 : i32
            %dma_wait3A_344 = tpu.memref_slice %arg3[%dma_wait3A_343, %mul3A_337] : memref<1x160000xi32, #tpu.memory_space<hbm>> -> memref<1x128xi32, #tpu.memory_space<hbm>>
            %dma_wait3A_345 = tpu.memref_slice %run_scoped3A_26[%rem3A_339] : memref<2x!tpu.dma_semaphore, #tpu.memory_space<semaphore_mem>> -> memref<1x!tpu.dma_semaphore, #tpu.memory_space<semaphore_mem>>
            %dma_wait3A_346 = tpu.memref_squeeze %dma_wait3A_345 : memref<1x!tpu.dma_semaphore, #tpu.memory_space<semaphore_mem>> -> memref<!tpu.dma_semaphore, #tpu.memory_space<semaphore_mem>>
            %dma_wait3A_347 = arith.constant 0 : i32
            %dma_wait3A_348 = arith.constant 0 : i32
            %dma_wait3A_349 = tpu.memref_slice %run_scoped3A_25[%rem3A_339, %dma_wait3A_347, %dma_wait3A_348] : memref<2x1x128xi32, #tpu.memory_space<vmem>> -> memref<1x1x128xi32, #tpu.memory_space<vmem>>
            %dma_wait3A_350 = tpu.memref_squeeze %dma_wait3A_349 : memref<1x1x128xi32, #tpu.memory_space<vmem>> -> memref<1x128xi32, #tpu.memory_space<vmem>>
            %dma_wait3A_351 = arith.constant 0 : i32
            %dma_wait3A_352 = tpu.memref_slice %arg3[%dma_wait3A_351, %mul3A_337] : memref<1x160000xi32, #tpu.memory_space<hbm>> -> memref<1x128xi32, #tpu.memory_space<hbm>>
            tpu.wait_dma2 semaphore(%dma_wait3A_346 : memref<!tpu.dma_semaphore, #tpu.memory_space<semaphore_mem>>) src(%dma_wait3A_352 : memref<1x128xi32, #tpu.memory_space<hbm>>) dst(%dma_wait3A_350 : memref<1x128xi32, #tpu.memory_space<vmem>>)
            "tpu.trace_stop"() : () -> ()
          } else {
          }
          %rem3A_264 = arith.constant 2 : i32
          %rem3A_265 = arith.remui %while3A_175, %rem3A_264 : i32
          %rem3A_266 = arith.constant 2 : i32
          %rem3A_267 = arith.remui %while3A_177, %rem3A_266 : i32
          %run_scoped3A_268 = arith.constant 0 : i32
          "tpu.trace_start"() <{level = 10 : i32, message = "ep_run_kernel"}> : () -> ()
          "tpu.region"() ({
            %run_scoped3A_336 = tpu.sem_alloc : memref<!tpu.dma_semaphore, #tpu.memory_space<semaphore_mem>>
            %dma_start3A_337 = arith.constant 0 : i32
            %dma_start3A_338 = arith.constant 0 : i32
            %dma_start3A_339 = tpu.memref_slice %run_scoped3A[%rem3A_265, %dma_start3A_337, %dma_start3A_338] : memref<2x128x32xf32, #tpu.memory_space<vmem>> -> memref<1x128x32xf32, #tpu.memory_space<vmem>>
            %dma_start3A_340 = tpu.memref_squeeze %dma_start3A_339 : memref<1x128x32xf32, #tpu.memory_space<vmem>> -> memref<128x32xf32, #tpu.memory_space<vmem>>
            %dma_start3A_341 = arith.constant 0 : i32
            %dma_start3A_342 = arith.constant 0 : i32
            %dma_start3A_343 = tpu.memref_slice %run_scoped3A_25[%rem3A_267, %dma_start3A_341, %dma_start3A_342] : memref<2x1x128xi32, #tpu.memory_space<vmem>> -> memref<1x1x128xi32, #tpu.memory_space<vmem>>
            %dma_start3A_344 = tpu.memref_squeeze %dma_start3A_343 : memref<1x1x128xi32, #tpu.memory_space<vmem>> -> memref<1x128xi32, #tpu.memory_space<vmem>>
            %dma_start3A_345 = arith.constant 0 : i32
            %dma_start3A_346 = tpu.memref_slice %dma_start3A_344[%run_scoped3A_268, %dma_start3A_345] : memref<1x128xi32, #tpu.memory_space<vmem>> -> memref<1x128xi32, #tpu.memory_space<vmem>>
            %dma_start3A_347 = tpu.memref_squeeze %dma_start3A_346 : memref<1x128xi32, #tpu.memory_space<vmem>> -> memref<128xi32, #tpu.memory_space<vmem>>
            %dma_start3A_348 = arith.constant 0 : i32
            %dma_start3A_349 = arith.constant 0 : i32
            %dma_start3A_350 = tpu.memref_slice %arg6[%dma_start3A_348, %dma_start3A_349] : memref<10000x32xf32, #tpu.memory_space<vmem_shared>> -> memref<10000x32xf32, #tpu.memory_space<vmem_shared>>
            tpu.enqueue_indirect_dma source(%dma_start3A_340 : memref<128x32xf32, #tpu.memory_space<vmem>>) target(%dma_start3A_350 : memref<10000x32xf32, #tpu.memory_space<vmem_shared>>) offsets(%dma_start3A_347 : memref<128xi32, #tpu.memory_space<vmem>>) semaphore(%run_scoped3A_336 : memref<!tpu.dma_semaphore, #tpu.memory_space<semaphore_mem>>) {add = true}
            %dma_wait3A = arith.constant 0 : i32
            %dma_wait3A_351 = arith.constant 0 : i32
            %dma_wait3A_352 = tpu.memref_slice %run_scoped3A[%rem3A_265, %dma_wait3A, %dma_wait3A_351] : memref<2x128x32xf32, #tpu.memory_space<vmem>> -> memref<1x128x32xf32, #tpu.memory_space<vmem>>
            %dma_wait3A_353 = tpu.memref_squeeze %dma_wait3A_352 : memref<1x128x32xf32, #tpu.memory_space<vmem>> -> memref<128x32xf32, #tpu.memory_space<vmem>>
            %dma_wait3A_354 = arith.constant 0 : i32
            %dma_wait3A_355 = arith.constant 0 : i32
            %dma_wait3A_356 = tpu.memref_slice %run_scoped3A_25[%rem3A_267, %dma_wait3A_354, %dma_wait3A_355] : memref<2x1x128xi32, #tpu.memory_space<vmem>> -> memref<1x1x128xi32, #tpu.memory_space<vmem>>
            %dma_wait3A_357 = tpu.memref_squeeze %dma_wait3A_356 : memref<1x1x128xi32, #tpu.memory_space<vmem>> -> memref<1x128xi32, #tpu.memory_space<vmem>>
            %dma_wait3A_358 = arith.constant 0 : i32
            %dma_wait3A_359 = tpu.memref_slice %dma_wait3A_357[%run_scoped3A_268, %dma_wait3A_358] : memref<1x128xi32, #tpu.memory_space<vmem>> -> memref<1x128xi32, #tpu.memory_space<vmem>>
            %dma_wait3A_360 = tpu.memref_squeeze %dma_wait3A_359 : memref<1x128xi32, #tpu.memory_space<vmem>> -> memref<128xi32, #tpu.memory_space<vmem>>
            %dma_wait3A_361 = arith.constant 0 : i32
            %dma_wait3A_362 = arith.constant 0 : i32
            %dma_wait3A_363 = tpu.memref_slice %arg6[%dma_wait3A_361, %dma_wait3A_362] : memref<10000x32xf32, #tpu.memory_space<vmem_shared>> -> memref<10000x32xf32, #tpu.memory_space<vmem_shared>>
            tpu.wait_indirect_dma semaphore(%run_scoped3A_336 : memref<!tpu.dma_semaphore, #tpu.memory_space<semaphore_mem>>) src(%dma_wait3A_353 : memref<128x32xf32, #tpu.memory_space<vmem>>) dst(%dma_wait3A_363 : memref<10000x32xf32, #tpu.memory_space<vmem_shared>>)
            tpu.yield
          }) : () -> ()
          "tpu.trace_stop"() : () -> ()
          %ne3A_269 = arith.cmpi ne, %add3A_186, %add3A_204 : i32
          %or3A_270 = arith.constant false
          %or3A_271 = arith.ori %or3A_270, %ne3A_269 : i1
          %or3A_272 = arith.constant false
          %or3A_273 = arith.ori %or3A_271, %or3A_272 : i1
          %or3A_274 = arith.ori %or3A_273, %eq3A_185 : i1
          %convert_element_type3A_275 = arith.extui %or3A_274 : i1 to i32
          %cond3A_276 = arith.constant 0 : i32
          %cond3A_277 = arith.cmpi ne, %convert_element_type3A_275, %cond3A_276 : i32
          scf.if %cond3A_277 {
          } else {
          }
          %and3A_278 = arith.constant false
          %and3A_279 = arith.andi %or3A_274, %and3A_278 : i1
          %ne3A_280 = arith.cmpi ne, %add3A_186, %add3A_204 : i32
          %or3A_281 = arith.constant false
          %or3A_282 = arith.ori %or3A_281, %ne3A_280 : i1
          %or3A_283 = arith.ori %or3A_282, %eq3A_185 : i1
          %convert_element_type3A_284 = arith.extui %or3A_283 : i1 to i32
          %cond3A_285 = arith.constant 0 : i32
          %cond3A_286 = arith.cmpi ne, %convert_element_type3A_284, %cond3A_285 : i32
          scf.if %cond3A_286 {
          } else {
          }
          %and3A_287 = arith.constant false
          %and3A_288 = arith.andi %or3A_283, %and3A_287 : i1
          %ne3A_289 = arith.cmpi ne, %add3A_186, %add3A_196 : i32
          %or3A_290 = arith.constant false
          %or3A_291 = arith.ori %or3A_290, %ne3A_289 : i1
          %or3A_292 = arith.constant false
          %or3A_293 = arith.ori %or3A_291, %or3A_292 : i1
          %not3A_294 = arith.constant true
          %not3A_295 = arith.xori %eq3A_182, %not3A_294 : i1
          %and3A_296 = arith.andi %or3A_293, %not3A_295 : i1
          %convert_element_type3A_297 = arith.extui %and3A_296 : i1 to i32
          %cond3A_298 = arith.constant 0 : i32
          %cond3A_299 = arith.cmpi ne, %convert_element_type3A_297, %cond3A_298 : i32
          scf.if %cond3A_299 {
          } else {
          }
          %and3A_300 = arith.constant false
          %and3A_301 = arith.andi %and3A_296, %and3A_300 : i1
          %ne3A_302 = arith.cmpi ne, %add3A_186, %add3A_196 : i32
          %or3A_303 = arith.constant false
          %or3A_304 = arith.ori %or3A_303, %ne3A_302 : i1
          %not3A_305 = arith.constant true
          %not3A_306 = arith.xori %eq3A_182, %not3A_305 : i1
          %and3A_307 = arith.andi %or3A_304, %not3A_306 : i1
          %convert_element_type3A_308 = arith.extui %and3A_307 : i1 to i32
          %cond3A_309 = arith.constant 0 : i32
          %cond3A_310 = arith.cmpi ne, %convert_element_type3A_308, %cond3A_309 : i32
          scf.if %cond3A_310 {
          } else {
          }
          %and3A_311 = arith.constant false
          %and3A_312 = arith.andi %and3A_307, %and3A_311 : i1
          %ne3A_313 = arith.cmpi ne, %add3A_186, %add3A_204 : i32
          %or3A_314 = arith.constant false
          %or3A_315 = arith.ori %or3A_314, %ne3A_313 : i1
          %or3A_316 = arith.constant false
          %or3A_317 = arith.ori %or3A_315, %or3A_316 : i1
          %or3A_318 = arith.ori %or3A_317, %eq3A_185 : i1
          %add3A_319 = arith.constant 1 : i32
          %add3A_320 = arith.addi %while3A_175, %add3A_319 : i32
          %select_n3A_321 = arith.select %or3A_318, %add3A_320, %while3A_175 : i32
          %ne3A_322 = arith.cmpi ne, %add3A_186, %add3A_204 : i32
          %or3A_323 = arith.constant false
          %or3A_324 = arith.ori %or3A_323, %ne3A_322 : i1
          %or3A_325 = arith.ori %or3A_324, %eq3A_185 : i1
          %add3A_326 = arith.constant 1 : i32
          %add3A_327 = arith.addi %while3A_177, %add3A_326 : i32
          %select_n3A_328 = arith.select %or3A_325, %add3A_327, %while3A_177 : i32
          %add3A_329 = arith.constant 1 : i32
          %add3A_330 = arith.addi %while3A_178, %add3A_329 : i32
          %select_n3A_331 = arith.constant true
          %select_n3A_332 = arith.select %select_n3A_331, %add3A_330, %while3A_178 : i32
          %eq3A_333 = arith.cmpi eq, %select_n3A_332, %select_n3A : i32
          %select_n3A_334 = arith.constant 0 : i32
          %select_n3A_335 = arith.select %eq3A_333, %select_n3A_334, %select_n3A_332 : i32
          scf.yield %select_n3A_228, %select_n3A_321, %select_n3A_247, %select_n3A_328, %select_n3A_335 : i32, i32, i32, i32, i32
        }
        %while3A_120 = arith.constant 1 : i32
        %while3A_121:5 = scf.for %while3A_173 = %while3A_117 to %while3A_113 step %while3A_120 iter_args(%while3A_174 = %while3A_119#0, %while3A_175 = %while3A_119#1, %while3A_176 = %while3A_119#2, %while3A_177 = %while3A_119#3, %while3A_178 = %while3A_119#4) -> (i32, i32, i32, i32, i32)  : i32 {
          %mul3A_179 = arith.constant 1 : i32
          %mul3A_180 = arith.muli %mul3A_179, %select_n3A : i32
          %eq3A_181 = arith.constant 0 : i32
          %eq3A_182 = arith.cmpi eq, %while3A_173, %eq3A_181 : i32
          %sub3A_183 = arith.constant 1 : i32
          %sub3A_184 = arith.subi %mul3A_180, %sub3A_183 : i32
          %eq3A_185 = arith.cmpi eq, %while3A_173, %sub3A_184 : i32
          %add3A_186 = arith.addi %while3A_178, %select_n3A_16 : i32
          %sub3A_187 = arith.constant 1 : i32
          %sub3A_188 = arith.subi %while3A_178, %sub3A_187 : i32
          %select_n3A_189 = arith.constant true
          %select_n3A_190 = arith.select %select_n3A_189, %sub3A_188, %while3A_178 : i32
          %eq3A_191 = arith.constant -1 : i32
          %eq3A_192 = arith.cmpi eq, %select_n3A_190, %eq3A_191 : i32
          %sub3A_193 = arith.constant 1 : i32
          %sub3A_194 = arith.subi %select_n3A, %sub3A_193 : i32
          %select_n3A_195 = arith.select %eq3A_192, %sub3A_194, %select_n3A_190 : i32
          %add3A_196 = arith.addi %select_n3A_195, %select_n3A_16 : i32
          %add3A_197 = arith.constant 1 : i32
          %add3A_198 = arith.addi %while3A_178, %add3A_197 : i32
          %select_n3A_199 = arith.constant true
          %select_n3A_200 = arith.select %select_n3A_199, %add3A_198, %while3A_178 : i32
          %eq3A_201 = arith.cmpi eq, %select_n3A_200, %select_n3A : i32
          %select_n3A_202 = arith.constant 0 : i32
          %select_n3A_203 = arith.select %eq3A_201, %select_n3A_202, %select_n3A_200 : i32
          %add3A_204 = arith.addi %select_n3A_203, %select_n3A_16 : i32
          %add3A_205 = arith.constant 1 : i32
          %add3A_206 = arith.addi %select_n3A_203, %add3A_205 : i32
          %select_n3A_207 = arith.constant true
          %select_n3A_208 = arith.select %select_n3A_207, %add3A_206, %select_n3A_203 : i32
          %eq3A_209 = arith.cmpi eq, %select_n3A_208, %select_n3A : i32
          %select_n3A_210 = arith.constant 0 : i32
          %select_n3A_211 = arith.select %eq3A_209, %select_n3A_210, %select_n3A_208 : i32
          %add3A_212 = arith.addi %select_n3A_211, %select_n3A_16 : i32
          %ne3A = arith.cmpi ne, %add3A_186, %add3A_204 : i32
          %or3A = arith.constant false
          %or3A_213 = arith.ori %or3A, %ne3A : i1
          %or3A_214 = arith.constant false
          %or3A_215 = arith.ori %or3A_213, %or3A_214 : i1
          %sub3A_216 = arith.constant 2 : i32
          %sub3A_217 = arith.subi %mul3A_180, %sub3A_216 : i32
          %add3A_218 = arith.constant 1 : i32
          %add3A_219 = arith.addi %sub3A_217, %add3A_218 : i32
          %ge3A = arith.cmpi sge, %while3A_173, %add3A_219 : i32
          %not3A = arith.constant true
          %not3A_220 = arith.xori %ge3A, %not3A : i1
          %and3A = arith.andi %or3A_215, %not3A_220 : i1
          %convert_element_type3A_221 = arith.extui %and3A : i1 to i32
          %cond3A_222 = arith.constant 0 : i32
          %cond3A_223 = arith.cmpi ne, %convert_element_type3A_221, %cond3A_222 : i32
          scf.if %cond3A_223 {
            "tpu.trace_start"() <{level = 10 : i32, message = "ep_copy_in"}> : () -> ()
            %rem3A_336 = arith.constant 2 : i32
            %rem3A_337 = arith.remui %while3A_174, %rem3A_336 : i32
            %mul3A_338 = arith.constant 128 : i32
            %mul3A_339 = arith.muli %mul3A_338, %add3A_204 : i32
            %dma_start3A_340 = arith.constant 0 : i32
            %dma_start3A_341 = arith.constant 0 : i32
            %dma_start3A_342 = tpu.memref_slice %run_scoped3A[%rem3A_337, %dma_start3A_340, %dma_start3A_341] : memref<2x128x32xf32, #tpu.memory_space<vmem>> -> memref<1x128x32xf32, #tpu.memory_space<vmem>>
            %dma_start3A_343 = tpu.memref_squeeze %dma_start3A_342 : memref<1x128x32xf32, #tpu.memory_space<vmem>> -> memref<128x32xf32, #tpu.memory_space<vmem>>
            %dma_start3A_344 = arith.constant 0 : i32
            %dma_start3A_345 = tpu.memref_slice %arg2[%mul3A_339, %dma_start3A_344] : memref<160000x32xf32, #tpu.memory_space<hbm>> -> memref<128x32xf32, #tpu.memory_space<hbm>>
            %dma_start3A_346 = tpu.memref_slice %run_scoped3A_24[%rem3A_337] : memref<2x!tpu.dma_semaphore, #tpu.memory_space<semaphore_mem>> -> memref<1x!tpu.dma_semaphore, #tpu.memory_space<semaphore_mem>>
            %dma_start3A_347 = tpu.memref_squeeze %dma_start3A_346 : memref<1x!tpu.dma_semaphore, #tpu.memory_space<semaphore_mem>> -> memref<!tpu.dma_semaphore, #tpu.memory_space<semaphore_mem>>
            %dma_start3A_348 = arith.constant 0 : i32
            %dma_start3A_349 = arith.constant 0 : i32
            %dma_start3A_350 = tpu.memref_slice %run_scoped3A[%rem3A_337, %dma_start3A_348, %dma_start3A_349] : memref<2x128x32xf32, #tpu.memory_space<vmem>> -> memref<1x128x32xf32, #tpu.memory_space<vmem>>
            %dma_start3A_351 = tpu.memref_squeeze %dma_start3A_350 : memref<1x128x32xf32, #tpu.memory_space<vmem>> -> memref<128x32xf32, #tpu.memory_space<vmem>>
            %dma_start3A_352 = arith.constant 0 : i32
            %dma_start3A_353 = tpu.memref_slice %arg2[%mul3A_339, %dma_start3A_352] : memref<160000x32xf32, #tpu.memory_space<hbm>> -> memref<128x32xf32, #tpu.memory_space<hbm>>
            tpu.enqueue_dma source(%dma_start3A_353 : memref<128x32xf32, #tpu.memory_space<hbm>>) target(%dma_start3A_351 : memref<128x32xf32, #tpu.memory_space<vmem>>) target_semaphore(%dma_start3A_347 : memref<!tpu.dma_semaphore, #tpu.memory_space<semaphore_mem>>)
            "tpu.trace_stop"() : () -> ()
          } else {
          }
          %and3A_224 = arith.constant true
          %and3A_225 = arith.andi %and3A, %and3A_224 : i1
          %add3A_226 = arith.constant 1 : i32
          %add3A_227 = arith.addi %while3A_174, %add3A_226 : i32
          %select_n3A_228 = arith.select %and3A_225, %add3A_227, %while3A_174 : i32
          %ne3A_229 = arith.cmpi ne, %add3A_186, %add3A_204 : i32
          %or3A_230 = arith.constant false
          %or3A_231 = arith.ori %or3A_230, %ne3A_229 : i1
          %sub3A_232 = arith.constant 2 : i32
          %sub3A_233 = arith.subi %mul3A_180, %sub3A_232 : i32
          %add3A_234 = arith.constant 1 : i32
          %add3A_235 = arith.addi %sub3A_233, %add3A_234 : i32
          %ge3A_236 = arith.cmpi sge, %while3A_173, %add3A_235 : i32
          %not3A_237 = arith.constant true
          %not3A_238 = arith.xori %ge3A_236, %not3A_237 : i1
          %and3A_239 = arith.andi %or3A_231, %not3A_238 : i1
          %convert_element_type3A_240 = arith.extui %and3A_239 : i1 to i32
          %cond3A_241 = arith.constant 0 : i32
          %cond3A_242 = arith.cmpi ne, %convert_element_type3A_240, %cond3A_241 : i32
          scf.if %cond3A_242 {
            "tpu.trace_start"() <{level = 10 : i32, message = "ep_copy_in"}> : () -> ()
            %rem3A_336 = arith.constant 2 : i32
            %rem3A_337 = arith.remui %while3A_176, %rem3A_336 : i32
            %mul3A_338 = arith.constant 128 : i32
            %mul3A_339 = arith.muli %mul3A_338, %add3A_204 : i32
            %dma_start3A_340 = arith.constant 0 : i32
            %dma_start3A_341 = arith.constant 0 : i32
            %dma_start3A_342 = tpu.memref_slice %run_scoped3A_25[%rem3A_337, %dma_start3A_340, %dma_start3A_341] : memref<2x1x128xi32, #tpu.memory_space<vmem>> -> memref<1x1x128xi32, #tpu.memory_space<vmem>>
            %dma_start3A_343 = tpu.memref_squeeze %dma_start3A_342 : memref<1x1x128xi32, #tpu.memory_space<vmem>> -> memref<1x128xi32, #tpu.memory_space<vmem>>
            %dma_start3A_344 = arith.constant 0 : i32
            %dma_start3A_345 = tpu.memref_slice %arg3[%dma_start3A_344, %mul3A_339] : memref<1x160000xi32, #tpu.memory_space<hbm>> -> memref<1x128xi32, #tpu.memory_space<hbm>>
            %dma_start3A_346 = tpu.memref_slice %run_scoped3A_26[%rem3A_337] : memref<2x!tpu.dma_semaphore, #tpu.memory_space<semaphore_mem>> -> memref<1x!tpu.dma_semaphore, #tpu.memory_space<semaphore_mem>>
            %dma_start3A_347 = tpu.memref_squeeze %dma_start3A_346 : memref<1x!tpu.dma_semaphore, #tpu.memory_space<semaphore_mem>> -> memref<!tpu.dma_semaphore, #tpu.memory_space<semaphore_mem>>
            %dma_start3A_348 = arith.constant 0 : i32
            %dma_start3A_349 = arith.constant 0 : i32
            %dma_start3A_350 = tpu.memref_slice %run_scoped3A_25[%rem3A_337, %dma_start3A_348, %dma_start3A_349] : memref<2x1x128xi32, #tpu.memory_space<vmem>> -> memref<1x1x128xi32, #tpu.memory_space<vmem>>
            %dma_start3A_351 = tpu.memref_squeeze %dma_start3A_350 : memref<1x1x128xi32, #tpu.memory_space<vmem>> -> memref<1x128xi32, #tpu.memory_space<vmem>>
            %dma_start3A_352 = arith.constant 0 : i32
            %dma_start3A_353 = tpu.memref_slice %arg3[%dma_start3A_352, %mul3A_339] : memref<1x160000xi32, #tpu.memory_space<hbm>> -> memref<1x128xi32, #tpu.memory_space<hbm>>
            tpu.enqueue_dma source(%dma_start3A_353 : memref<1x128xi32, #tpu.memory_space<hbm>>) target(%dma_start3A_351 : memref<1x128xi32, #tpu.memory_space<vmem>>) target_semaphore(%dma_start3A_347 : memref<!tpu.dma_semaphore, #tpu.memory_space<semaphore_mem>>)
            "tpu.trace_stop"() : () -> ()
          } else {
          }
          %and3A_243 = arith.constant true
          %and3A_244 = arith.andi %and3A_239, %and3A_243 : i1
          %add3A_245 = arith.constant 1 : i32
          %add3A_246 = arith.addi %while3A_176, %add3A_245 : i32
          %select_n3A_247 = arith.select %and3A_244, %add3A_246, %while3A_176 : i32
          %ne3A_248 = arith.cmpi ne, %add3A_186, %add3A_196 : i32
          %or3A_249 = arith.constant false
          %or3A_250 = arith.ori %or3A_249, %ne3A_248 : i1
          %or3A_251 = arith.constant false
          %or3A_252 = arith.ori %or3A_250, %or3A_251 : i1
          %or3A_253 = arith.ori %or3A_252, %eq3A_182 : i1
          %convert_element_type3A_254 = arith.extui %or3A_253 : i1 to i32
          %cond3A_255 = arith.constant 0 : i32
          %cond3A_256 = arith.cmpi ne, %convert_element_type3A_254, %cond3A_255 : i32
          scf.if %cond3A_256 {
            "tpu.trace_start"() <{level = 10 : i32, message = "ep_wait_in"}> : () -> ()
            %mul3A_336 = arith.constant 128 : i32
            %mul3A_337 = arith.muli %mul3A_336, %add3A_186 : i32
            %rem3A_338 = arith.constant 2 : i32
            %rem3A_339 = arith.remui %while3A_175, %rem3A_338 : i32
            %dma_wait3A = arith.constant 0 : i32
            %dma_wait3A_340 = arith.constant 0 : i32
            %dma_wait3A_341 = tpu.memref_slice %run_scoped3A[%rem3A_339, %dma_wait3A, %dma_wait3A_340] : memref<2x128x32xf32, #tpu.memory_space<vmem>> -> memref<1x128x32xf32, #tpu.memory_space<vmem>>
            %dma_wait3A_342 = tpu.memref_squeeze %dma_wait3A_341 : memref<1x128x32xf32, #tpu.memory_space<vmem>> -> memref<128x32xf32, #tpu.memory_space<vmem>>
            %dma_wait3A_343 = arith.constant 0 : i32
            %dma_wait3A_344 = tpu.memref_slice %arg2[%mul3A_337, %dma_wait3A_343] : memref<160000x32xf32, #tpu.memory_space<hbm>> -> memref<128x32xf32, #tpu.memory_space<hbm>>
            %dma_wait3A_345 = tpu.memref_slice %run_scoped3A_24[%rem3A_339] : memref<2x!tpu.dma_semaphore, #tpu.memory_space<semaphore_mem>> -> memref<1x!tpu.dma_semaphore, #tpu.memory_space<semaphore_mem>>
            %dma_wait3A_346 = tpu.memref_squeeze %dma_wait3A_345 : memref<1x!tpu.dma_semaphore, #tpu.memory_space<semaphore_mem>> -> memref<!tpu.dma_semaphore, #tpu.memory_space<semaphore_mem>>
            %dma_wait3A_347 = arith.constant 0 : i32
            %dma_wait3A_348 = arith.constant 0 : i32
            %dma_wait3A_349 = tpu.memref_slice %run_scoped3A[%rem3A_339, %dma_wait3A_347, %dma_wait3A_348] : memref<2x128x32xf32, #tpu.memory_space<vmem>> -> memref<1x128x32xf32, #tpu.memory_space<vmem>>
            %dma_wait3A_350 = tpu.memref_squeeze %dma_wait3A_349 : memref<1x128x32xf32, #tpu.memory_space<vmem>> -> memref<128x32xf32, #tpu.memory_space<vmem>>
            %dma_wait3A_351 = arith.constant 0 : i32
            %dma_wait3A_352 = tpu.memref_slice %arg2[%mul3A_337, %dma_wait3A_351] : memref<160000x32xf32, #tpu.memory_space<hbm>> -> memref<128x32xf32, #tpu.memory_space<hbm>>
            tpu.wait_dma2 semaphore(%dma_wait3A_346 : memref<!tpu.dma_semaphore, #tpu.memory_space<semaphore_mem>>) src(%dma_wait3A_352 : memref<128x32xf32, #tpu.memory_space<hbm>>) dst(%dma_wait3A_350 : memref<128x32xf32, #tpu.memory_space<vmem>>)
            "tpu.trace_stop"() : () -> ()
          } else {
          }
          %ne3A_257 = arith.cmpi ne, %add3A_186, %add3A_196 : i32
          %or3A_258 = arith.constant false
          %or3A_259 = arith.ori %or3A_258, %ne3A_257 : i1
          %or3A_260 = arith.ori %or3A_259, %eq3A_182 : i1
          %convert_element_type3A_261 = arith.extui %or3A_260 : i1 to i32
          %cond3A_262 = arith.constant 0 : i32
          %cond3A_263 = arith.cmpi ne, %convert_element_type3A_261, %cond3A_262 : i32
          scf.if %cond3A_263 {
            "tpu.trace_start"() <{level = 10 : i32, message = "ep_wait_in"}> : () -> ()
            %mul3A_336 = arith.constant 128 : i32
            %mul3A_337 = arith.muli %mul3A_336, %add3A_186 : i32
            %rem3A_338 = arith.constant 2 : i32
            %rem3A_339 = arith.remui %while3A_177, %rem3A_338 : i32
            %dma_wait3A = arith.constant 0 : i32
            %dma_wait3A_340 = arith.constant 0 : i32
            %dma_wait3A_341 = tpu.memref_slice %run_scoped3A_25[%rem3A_339, %dma_wait3A, %dma_wait3A_340] : memref<2x1x128xi32, #tpu.memory_space<vmem>> -> memref<1x1x128xi32, #tpu.memory_space<vmem>>
            %dma_wait3A_342 = tpu.memref_squeeze %dma_wait3A_341 : memref<1x1x128xi32, #tpu.memory_space<vmem>> -> memref<1x128xi32, #tpu.memory_space<vmem>>
            %dma_wait3A_343 = arith.constant 0 : i32
            %dma_wait3A_344 = tpu.memref_slice %arg3[%dma_wait3A_343, %mul3A_337] : memref<1x160000xi32, #tpu.memory_space<hbm>> -> memref<1x128xi32, #tpu.memory_space<hbm>>
            %dma_wait3A_345 = tpu.memref_slice %run_scoped3A_26[%rem3A_339] : memref<2x!tpu.dma_semaphore, #tpu.memory_space<semaphore_mem>> -> memref<1x!tpu.dma_semaphore, #tpu.memory_space<semaphore_mem>>
            %dma_wait3A_346 = tpu.memref_squeeze %dma_wait3A_345 : memref<1x!tpu.dma_semaphore, #tpu.memory_space<semaphore_mem>> -> memref<!tpu.dma_semaphore, #tpu.memory_space<semaphore_mem>>
            %dma_wait3A_347 = arith.constant 0 : i32
            %dma_wait3A_348 = arith.constant 0 : i32
            %dma_wait3A_349 = tpu.memref_slice %run_scoped3A_25[%rem3A_339, %dma_wait3A_347, %dma_wait3A_348] : memref<2x1x128xi32, #tpu.memory_space<vmem>> -> memref<1x1x128xi32, #tpu.memory_space<vmem>>
            %dma_wait3A_350 = tpu.memref_squeeze %dma_wait3A_349 : memref<1x1x128xi32, #tpu.memory_space<vmem>> -> memref<1x128xi32, #tpu.memory_space<vmem>>
            %dma_wait3A_351 = arith.constant 0 : i32
            %dma_wait3A_352 = tpu.memref_slice %arg3[%dma_wait3A_351, %mul3A_337] : memref<1x160000xi32, #tpu.memory_space<hbm>> -> memref<1x128xi32, #tpu.memory_space<hbm>>
            tpu.wait_dma2 semaphore(%dma_wait3A_346 : memref<!tpu.dma_semaphore, #tpu.memory_space<semaphore_mem>>) src(%dma_wait3A_352 : memref<1x128xi32, #tpu.memory_space<hbm>>) dst(%dma_wait3A_350 : memref<1x128xi32, #tpu.memory_space<vmem>>)
            "tpu.trace_stop"() : () -> ()
          } else {
          }
          %rem3A_264 = arith.constant 2 : i32
          %rem3A_265 = arith.remui %while3A_175, %rem3A_264 : i32
          %rem3A_266 = arith.constant 2 : i32
          %rem3A_267 = arith.remui %while3A_177, %rem3A_266 : i32
          %run_scoped3A_268 = arith.constant 0 : i32
          "tpu.trace_start"() <{level = 10 : i32, message = "ep_run_kernel"}> : () -> ()
          "tpu.region"() ({
            %run_scoped3A_336 = tpu.sem_alloc : memref<!tpu.dma_semaphore, #tpu.memory_space<semaphore_mem>>
            %dma_start3A_337 = arith.constant 0 : i32
            %dma_start3A_338 = arith.constant 0 : i32
            %dma_start3A_339 = tpu.memref_slice %run_scoped3A[%rem3A_265, %dma_start3A_337, %dma_start3A_338] : memref<2x128x32xf32, #tpu.memory_space<vmem>> -> memref<1x128x32xf32, #tpu.memory_space<vmem>>
            %dma_start3A_340 = tpu.memref_squeeze %dma_start3A_339 : memref<1x128x32xf32, #tpu.memory_space<vmem>> -> memref<128x32xf32, #tpu.memory_space<vmem>>
            %dma_start3A_341 = arith.constant 0 : i32
            %dma_start3A_342 = arith.constant 0 : i32
            %dma_start3A_343 = tpu.memref_slice %run_scoped3A_25[%rem3A_267, %dma_start3A_341, %dma_start3A_342] : memref<2x1x128xi32, #tpu.memory_space<vmem>> -> memref<1x1x128xi32, #tpu.memory_space<vmem>>
            %dma_start3A_344 = tpu.memref_squeeze %dma_start3A_343 : memref<1x1x128xi32, #tpu.memory_space<vmem>> -> memref<1x128xi32, #tpu.memory_space<vmem>>
            %dma_start3A_345 = arith.constant 0 : i32
            %dma_start3A_346 = tpu.memref_slice %dma_start3A_344[%run_scoped3A_268, %dma_start3A_345] : memref<1x128xi32, #tpu.memory_space<vmem>> -> memref<1x128xi32, #tpu.memory_space<vmem>>
            %dma_start3A_347 = tpu.memref_squeeze %dma_start3A_346 : memref<1x128xi32, #tpu.memory_space<vmem>> -> memref<128xi32, #tpu.memory_space<vmem>>
            %dma_start3A_348 = arith.constant 0 : i32
            %dma_start3A_349 = arith.constant 0 : i32
            %dma_start3A_350 = tpu.memref_slice %arg6[%dma_start3A_348, %dma_start3A_349] : memref<10000x32xf32, #tpu.memory_space<vmem_shared>> -> memref<10000x32xf32, #tpu.memory_space<vmem_shared>>
            tpu.enqueue_indirect_dma source(%dma_start3A_340 : memref<128x32xf32, #tpu.memory_space<vmem>>) target(%dma_start3A_350 : memref<10000x32xf32, #tpu.memory_space<vmem_shared>>) offsets(%dma_start3A_347 : memref<128xi32, #tpu.memory_space<vmem>>) semaphore(%run_scoped3A_336 : memref<!tpu.dma_semaphore, #tpu.memory_space<semaphore_mem>>) {add = true}
            %dma_wait3A = arith.constant 0 : i32
            %dma_wait3A_351 = arith.constant 0 : i32
            %dma_wait3A_352 = tpu.memref_slice %run_scoped3A[%rem3A_265, %dma_wait3A, %dma_wait3A_351] : memref<2x128x32xf32, #tpu.memory_space<vmem>> -> memref<1x128x32xf32, #tpu.memory_space<vmem>>
            %dma_wait3A_353 = tpu.memref_squeeze %dma_wait3A_352 : memref<1x128x32xf32, #tpu.memory_space<vmem>> -> memref<128x32xf32, #tpu.memory_space<vmem>>
            %dma_wait3A_354 = arith.constant 0 : i32
            %dma_wait3A_355 = arith.constant 0 : i32
            %dma_wait3A_356 = tpu.memref_slice %run_scoped3A_25[%rem3A_267, %dma_wait3A_354, %dma_wait3A_355] : memref<2x1x128xi32, #tpu.memory_space<vmem>> -> memref<1x1x128xi32, #tpu.memory_space<vmem>>
            %dma_wait3A_357 = tpu.memref_squeeze %dma_wait3A_356 : memref<1x1x128xi32, #tpu.memory_space<vmem>> -> memref<1x128xi32, #tpu.memory_space<vmem>>
            %dma_wait3A_358 = arith.constant 0 : i32
            %dma_wait3A_359 = tpu.memref_slice %dma_wait3A_357[%run_scoped3A_268, %dma_wait3A_358] : memref<1x128xi32, #tpu.memory_space<vmem>> -> memref<1x128xi32, #tpu.memory_space<vmem>>
            %dma_wait3A_360 = tpu.memref_squeeze %dma_wait3A_359 : memref<1x128xi32, #tpu.memory_space<vmem>> -> memref<128xi32, #tpu.memory_space<vmem>>
            %dma_wait3A_361 = arith.constant 0 : i32
            %dma_wait3A_362 = arith.constant 0 : i32
            %dma_wait3A_363 = tpu.memref_slice %arg6[%dma_wait3A_361, %dma_wait3A_362] : memref<10000x32xf32, #tpu.memory_space<vmem_shared>> -> memref<10000x32xf32, #tpu.memory_space<vmem_shared>>
            tpu.wait_indirect_dma semaphore(%run_scoped3A_336 : memref<!tpu.dma_semaphore, #tpu.memory_space<semaphore_mem>>) src(%dma_wait3A_353 : memref<128x32xf32, #tpu.memory_space<vmem>>) dst(%dma_wait3A_363 : memref<10000x32xf32, #tpu.memory_space<vmem_shared>>)
            tpu.yield
          }) : () -> ()
          "tpu.trace_stop"() : () -> ()
          %ne3A_269 = arith.cmpi ne, %add3A_186, %add3A_204 : i32
          %or3A_270 = arith.constant false
          %or3A_271 = arith.ori %or3A_270, %ne3A_269 : i1
          %or3A_272 = arith.constant false
          %or3A_273 = arith.ori %or3A_271, %or3A_272 : i1
          %or3A_274 = arith.ori %or3A_273, %eq3A_185 : i1
          %convert_element_type3A_275 = arith.extui %or3A_274 : i1 to i32
          %cond3A_276 = arith.constant 0 : i32
          %cond3A_277 = arith.cmpi ne, %convert_element_type3A_275, %cond3A_276 : i32
          scf.if %cond3A_277 {
          } else {
          }
          %and3A_278 = arith.constant false
          %and3A_279 = arith.andi %or3A_274, %and3A_278 : i1
          %ne3A_280 = arith.cmpi ne, %add3A_186, %add3A_204 : i32
          %or3A_281 = arith.constant false
          %or3A_282 = arith.ori %or3A_281, %ne3A_280 : i1
          %or3A_283 = arith.ori %or3A_282, %eq3A_185 : i1
          %convert_element_type3A_284 = arith.extui %or3A_283 : i1 to i32
          %cond3A_285 = arith.constant 0 : i32
          %cond3A_286 = arith.cmpi ne, %convert_element_type3A_284, %cond3A_285 : i32
          scf.if %cond3A_286 {
          } else {
          }
          %and3A_287 = arith.constant false
          %and3A_288 = arith.andi %or3A_283, %and3A_287 : i1
          %ne3A_289 = arith.cmpi ne, %add3A_186, %add3A_196 : i32
          %or3A_290 = arith.constant false
          %or3A_291 = arith.ori %or3A_290, %ne3A_289 : i1
          %or3A_292 = arith.constant false
          %or3A_293 = arith.ori %or3A_291, %or3A_292 : i1
          %not3A_294 = arith.constant true
          %not3A_295 = arith.xori %eq3A_182, %not3A_294 : i1
          %and3A_296 = arith.andi %or3A_293, %not3A_295 : i1
          %convert_element_type3A_297 = arith.extui %and3A_296 : i1 to i32
          %cond3A_298 = arith.constant 0 : i32
          %cond3A_299 = arith.cmpi ne, %convert_element_type3A_297, %cond3A_298 : i32
          scf.if %cond3A_299 {
          } else {
          }
          %and3A_300 = arith.constant false
          %and3A_301 = arith.andi %and3A_296, %and3A_300 : i1
          %ne3A_302 = arith.cmpi ne, %add3A_186, %add3A_196 : i32
          %or3A_303 = arith.constant false
          %or3A_304 = arith.ori %or3A_303, %ne3A_302 : i1
          %not3A_305 = arith.constant true
          %not3A_306 = arith.xori %eq3A_182, %not3A_305 : i1
          %and3A_307 = arith.andi %or3A_304, %not3A_306 : i1
          %convert_element_type3A_308 = arith.extui %and3A_307 : i1 to i32
          %cond3A_309 = arith.constant 0 : i32
          %cond3A_310 = arith.cmpi ne, %convert_element_type3A_308, %cond3A_309 : i32
          scf.if %cond3A_310 {
          } else {
          }
          %and3A_311 = arith.constant false
          %and3A_312 = arith.andi %and3A_307, %and3A_311 : i1
          %ne3A_313 = arith.cmpi ne, %add3A_186, %add3A_204 : i32
          %or3A_314 = arith.constant false
          %or3A_315 = arith.ori %or3A_314, %ne3A_313 : i1
          %or3A_316 = arith.constant false
          %or3A_317 = arith.ori %or3A_315, %or3A_316 : i1
          %or3A_318 = arith.ori %or3A_317, %eq3A_185 : i1
          %add3A_319 = arith.constant 1 : i32
          %add3A_320 = arith.addi %while3A_175, %add3A_319 : i32
          %select_n3A_321 = arith.select %or3A_318, %add3A_320, %while3A_175 : i32
          %ne3A_322 = arith.cmpi ne, %add3A_186, %add3A_204 : i32
          %or3A_323 = arith.constant false
          %or3A_324 = arith.ori %or3A_323, %ne3A_322 : i1
          %or3A_325 = arith.ori %or3A_324, %eq3A_185 : i1
          %add3A_326 = arith.constant 1 : i32
          %add3A_327 = arith.addi %while3A_177, %add3A_326 : i32
          %select_n3A_328 = arith.select %or3A_325, %add3A_327, %while3A_177 : i32
          %add3A_329 = arith.constant 1 : i32
          %add3A_330 = arith.addi %while3A_178, %add3A_329 : i32
          %select_n3A_331 = arith.constant true
          %select_n3A_332 = arith.select %select_n3A_331, %add3A_330, %while3A_178 : i32
          %eq3A_333 = arith.cmpi eq, %select_n3A_332, %select_n3A : i32
          %select_n3A_334 = arith.constant 0 : i32
          %select_n3A_335 = arith.select %eq3A_333, %select_n3A_334, %select_n3A_332 : i32
          scf.yield %select_n3A_228, %select_n3A_321, %select_n3A_247, %select_n3A_328, %select_n3A_335 : i32, i32, i32, i32, i32
        }
        %sub3A_122 = arith.constant 1 : i32
        %sub3A_123 = arith.subi %while3A_121#4, %sub3A_122 : i32
        %select_n3A_124 = arith.constant true
        %select_n3A_125 = arith.select %select_n3A_124, %sub3A_123, %while3A_121#4 : i32
        %eq3A_126 = arith.constant -1 : i32
        %eq3A_127 = arith.cmpi eq, %select_n3A_125, %eq3A_126 : i32
        %sub3A_128 = arith.constant 1 : i32
        %sub3A_129 = arith.subi %select_n3A, %sub3A_128 : i32
        %select_n3A_130 = arith.select %eq3A_127, %sub3A_129, %select_n3A_125 : i32
        %sub3A_131 = arith.constant 1 : i32
        %sub3A_132 = arith.subi %mul3A_18, %sub3A_131 : i32
        %mul3A_133 = arith.constant 1 : i32
        %mul3A_134 = arith.muli %mul3A_133, %select_n3A : i32
        %eq3A_135 = arith.constant 0 : i32
        %eq3A_136 = arith.cmpi eq, %sub3A_132, %eq3A_135 : i32
        %sub3A_137 = arith.constant 1 : i32
        %sub3A_138 = arith.subi %mul3A_134, %sub3A_137 : i32
        %eq3A_139 = arith.cmpi eq, %sub3A_132, %sub3A_138 : i32
        %add3A_140 = arith.addi %select_n3A_130, %select_n3A_16 : i32
        %sub3A_141 = arith.constant 1 : i32
        %sub3A_142 = arith.subi %select_n3A_130, %sub3A_141 : i32
        %select_n3A_143 = arith.constant true
        %select_n3A_144 = arith.select %select_n3A_143, %sub3A_142, %select_n3A_130 : i32
        %eq3A_145 = arith.constant -1 : i32
        %eq3A_146 = arith.cmpi eq, %select_n3A_144, %eq3A_145 : i32
        %sub3A_147 = arith.constant 1 : i32
        %sub3A_148 = arith.subi %select_n3A, %sub3A_147 : i32
        %select_n3A_149 = arith.select %eq3A_146, %sub3A_148, %select_n3A_144 : i32
        %add3A_150 = arith.addi %select_n3A_149, %select_n3A_16 : i32
        %add3A_151 = arith.constant 1 : i32
        %add3A_152 = arith.addi %select_n3A_130, %add3A_151 : i32
        %select_n3A_153 = arith.constant true
        %select_n3A_154 = arith.select %select_n3A_153, %add3A_152, %select_n3A_130 : i32
        %eq3A_155 = arith.cmpi eq, %select_n3A_154, %select_n3A : i32
        %select_n3A_156 = arith.constant 0 : i32
        %select_n3A_157 = arith.select %eq3A_155, %select_n3A_156, %select_n3A_154 : i32
        %add3A_158 = arith.addi %select_n3A_157, %select_n3A_16 : i32
        %add3A_159 = arith.constant 1 : i32
        %add3A_160 = arith.addi %select_n3A_157, %add3A_159 : i32
        %select_n3A_161 = arith.constant true
        %select_n3A_162 = arith.select %select_n3A_161, %add3A_160, %select_n3A_157 : i32
        %eq3A_163 = arith.cmpi eq, %select_n3A_162, %select_n3A : i32
        %select_n3A_164 = arith.constant 0 : i32
        %select_n3A_165 = arith.select %eq3A_163, %select_n3A_164, %select_n3A_162 : i32
        %add3A_166 = arith.addi %select_n3A_165, %select_n3A_16 : i32
        %convert_element_type3A_167 = arith.extui %eq3A_139 : i1 to i32
        %cond3A_168 = arith.constant 0 : i32
        %cond3A_169 = arith.cmpi ne, %convert_element_type3A_167, %cond3A_168 : i32
        scf.if %cond3A_169 {
        } else {
        }
        %convert_element_type3A_170 = arith.extui %eq3A_139 : i1 to i32
        %cond3A_171 = arith.constant 0 : i32
        %cond3A_172 = arith.cmpi ne, %convert_element_type3A_170, %cond3A_171 : i32
        scf.if %cond3A_172 {
        } else {
        }
      } else {
      }
      tpu.yield
    }) : () -> ()
    %barrier3A_19 = arith.constant 0 : index
    tpu.barrier barrier_id(%barrier3A_19)
    %mul3A_20 = arith.constant 625 : i32
    %mul3A_21 = arith.muli %arg1, %mul3A_20 : i32
    %mul3A_22 = arith.constant 625 : i32
    %mul3A_23 = arith.muli %arg1, %mul3A_22 : i32
    "tpu.region"() ({
      %run_scoped3A = tpu.sem_alloc : memref<!tpu.dma_semaphore, #tpu.memory_space<semaphore_mem>>
      %dma_start3A = arith.constant 0 : i32
      %dma_start3A_24 = tpu.memref_slice %arg5[%arg0, %mul3A_23, %dma_start3A] : memref<2x10000x32xf32, #tpu.memory_space<hbm>> -> memref<1x625x32xf32, #tpu.memory_space<hbm>>
      %dma_start3A_25 = tpu.memref_squeeze %dma_start3A_24 : memref<1x625x32xf32, #tpu.memory_space<hbm>> -> memref<625x32xf32, #tpu.memory_space<hbm>>
      %dma_start3A_26 = arith.constant 0 : i32
      %dma_start3A_27 = tpu.memref_slice %arg6[%mul3A_21, %dma_start3A_26] : memref<10000x32xf32, #tpu.memory_space<vmem_shared>> -> memref<625x32xf32, #tpu.memory_space<vmem_shared>>
      tpu.enqueue_dma source(%dma_start3A_27 : memref<625x32xf32, #tpu.memory_space<vmem_shared>>) target(%dma_start3A_25 : memref<625x32xf32, #tpu.memory_space<hbm>>) target_semaphore(%run_scoped3A : memref<!tpu.dma_semaphore, #tpu.memory_space<semaphore_mem>>)
      %dma_wait3A = arith.constant 0 : i32
      %dma_wait3A_28 = tpu.memref_slice %arg5[%arg0, %mul3A_23, %dma_wait3A] : memref<2x10000x32xf32, #tpu.memory_space<hbm>> -> memref<1x625x32xf32, #tpu.memory_space<hbm>>
      %dma_wait3A_29 = tpu.memref_squeeze %dma_wait3A_28 : memref<1x625x32xf32, #tpu.memory_space<hbm>> -> memref<625x32xf32, #tpu.memory_space<hbm>>
      %dma_wait3A_30 = arith.constant 0 : i32
      %dma_wait3A_31 = tpu.memref_slice %arg6[%mul3A_21, %dma_wait3A_30] : memref<10000x32xf32, #tpu.memory_space<vmem_shared>> -> memref<625x32xf32, #tpu.memory_space<vmem_shared>>
      tpu.wait_dma2 semaphore(%run_scoped3A : memref<!tpu.dma_semaphore, #tpu.memory_space<semaphore_mem>>) src(%dma_wait3A_31 : memref<625x32xf32, #tpu.memory_space<vmem_shared>>) dst(%dma_wait3A_29 : memref<625x32xf32, #tpu.memory_space<hbm>>)
      tpu.yield
    }) : () -> ()
    return
  }
}

module attributes {stable_mosaic.version = 14 : i64} {
  func.func @body(%arg0: i32, %arg1: memref<256x16xf32, #tpu.memory_space<vmem>>, %arg2: memref<256x32xf32, #tpu.memory_space<vmem>>, %arg3: memref<16x32xf32, #tpu.memory_space<vmem>>, %arg4: memref<1x32xf32, #tpu.memory_space<vmem>>, %arg5: memref<32x1024xf32, #tpu.memory_space<vmem>>, %arg6: memref<1x1024xf32, #tpu.memory_space<vmem>>, %arg7: memref<32x1024xf32, #tpu.memory_space<vmem>>, %arg8: memref<256x32xf32, #tpu.memory_space<vmem>>) attributes {dimension_semantics = [#tpu.dimension_semantics<arbitrary>], iteration_bounds = array<i64: 625>, scalar_prefetch = 0 : i64, scratch_operands = 0 : i64, tpu.core_type = #tpu.core_type<tc>, window_params = [{transform_indices = @transform_0, window_bounds = array<i64: 256, 16>}, {transform_indices = @transform_1, window_bounds = array<i64: 256, 32>}, {pipeline_mode = #tpu.pipeline_mode<synchronous>, transform_indices = @transform_2, window_bounds = array<i64: 16, 32>}, {pipeline_mode = #tpu.pipeline_mode<synchronous>, transform_indices = @transform_3, window_bounds = array<i64: 1, 32>}, {pipeline_mode = #tpu.pipeline_mode<synchronous>, transform_indices = @transform_4, window_bounds = array<i64: 32, 1024>}, {pipeline_mode = #tpu.pipeline_mode<synchronous>, transform_indices = @transform_5, window_bounds = array<i64: 1, 1024>}, {pipeline_mode = #tpu.pipeline_mode<synchronous>, transform_indices = @transform_6, window_bounds = array<i64: 32, 1024>}, {transform_indices = @transform_7, window_bounds = array<i64: 256, 32>}]} {
    %get3A = arith.constant 0 : index
    %get3A_0 = arith.constant 0 : index
    %get3A_1 = vector.load %arg1[%get3A, %get3A_0] : memref<256x16xf32, #tpu.memory_space<vmem>>, vector<256x16xf32>
    %get3A_2 = arith.constant 0 : index
    %get3A_3 = arith.constant 0 : index
    %get3A_4 = vector.load %arg3[%get3A_2, %get3A_3] : memref<16x32xf32, #tpu.memory_space<vmem>>, vector<16x32xf32>
    %dot_general3A = arith.constant dense<0.000000e+00> : vector<256x32xf32>
    %dot_general3A_5 = tpu.matmul %get3A_1, %get3A_4, %dot_general3A {dimension_numbers = #tpu.dot_dimension_numbers<[1], [0], [0], [1], [0, 0, 1, 1], [], []>, transpose_lhs_hint = false} : vector<256x16xf32>, vector<16x32xf32>, vector<256x32xf32> -> vector<256x32xf32>
    %get3A_6 = arith.constant 0 : index
    %get3A_7 = arith.constant 0 : index
    %get3A_8 = vector.load %arg4[%get3A_6, %get3A_7] : memref<1x32xf32, #tpu.memory_space<vmem>>, vector<1x32xf32>
    %add3A = vector.broadcast %get3A_8 : vector<1x32xf32> to vector<256x32xf32>
    %add3A_9 = arith.addf %dot_general3A_5, %add3A : vector<256x32xf32>
    %max3A = arith.constant 0.000000e+00 : f32
    %max3A_10 = vector.broadcast %max3A : f32 to vector<256x32xf32>
    %max3A_11 = arith.maximumf %add3A_9, %max3A_10 : vector<256x32xf32>
    %get3A_12 = arith.constant 0 : index
    %get3A_13 = arith.constant 0 : index
    %get3A_14 = vector.load %arg5[%get3A_12, %get3A_13] : memref<32x1024xf32, #tpu.memory_space<vmem>>, vector<32x1024xf32>
    %dot_general3A_15 = arith.constant dense<0.000000e+00> : vector<256x1024xf32>
    %dot_general3A_16 = tpu.matmul %max3A_11, %get3A_14, %dot_general3A_15 {dimension_numbers = #tpu.dot_dimension_numbers<[1], [0], [0], [1], [0, 0, 1, 1], [], []>, transpose_lhs_hint = false} : vector<256x32xf32>, vector<32x1024xf32>, vector<256x1024xf32> -> vector<256x1024xf32>
    %get3A_17 = arith.constant 0 : index
    %get3A_18 = arith.constant 0 : index
    %get3A_19 = vector.load %arg6[%get3A_17, %get3A_18] : memref<1x1024xf32, #tpu.memory_space<vmem>>, vector<1x1024xf32>
    %add3A_20 = vector.broadcast %get3A_19 : vector<1x1024xf32> to vector<256x1024xf32>
    %add3A_21 = arith.addf %dot_general3A_16, %add3A_20 : vector<256x1024xf32>
    %get3A_22 = arith.constant 0 : index
    %get3A_23 = arith.constant 0 : index
    %get3A_24 = vector.load %arg2[%get3A_22, %get3A_23] : memref<256x32xf32, #tpu.memory_space<vmem>>, vector<256x32xf32>
    %get3A_25 = arith.constant 0 : index
    %get3A_26 = arith.constant 0 : index
    %get3A_27 = vector.load %arg7[%get3A_25, %get3A_26] : memref<32x1024xf32, #tpu.memory_space<vmem>>, vector<32x1024xf32>
    %dot_general3A_28 = arith.constant dense<0.000000e+00> : vector<256x1024xf32>
    %dot_general3A_29 = tpu.matmul %get3A_24, %get3A_27, %dot_general3A_28 {dimension_numbers = #tpu.dot_dimension_numbers<[1], [0], [0], [1], [0, 0, 1, 1], [], []>, transpose_lhs_hint = false} : vector<256x32xf32>, vector<32x1024xf32>, vector<256x1024xf32> -> vector<256x1024xf32>
    %mul3A = arith.mulf %add3A_21, %dot_general3A_29 : vector<256x1024xf32>
    %slice3A = vector.extract_strided_slice %mul3A {offsets = [0, 0], sizes = [256, 512], strides = [1, 1]} : vector<256x1024xf32> to vector<256x512xf32>
    %slice3A_30 = vector.extract_strided_slice %mul3A {offsets = [0, 512], sizes = [256, 512], strides = [1, 1]} : vector<256x1024xf32> to vector<256x512xf32>
    %add3A_31 = arith.addf %slice3A, %slice3A_30 : vector<256x512xf32>
    %slice3A_32 = vector.extract_strided_slice %add3A_31 {offsets = [0, 0], sizes = [256, 256], strides = [1, 1]} : vector<256x512xf32> to vector<256x256xf32>
    %slice3A_33 = vector.extract_strided_slice %add3A_31 {offsets = [0, 256], sizes = [256, 256], strides = [1, 1]} : vector<256x512xf32> to vector<256x256xf32>
    %add3A_34 = arith.addf %slice3A_32, %slice3A_33 : vector<256x256xf32>
    %slice3A_35 = vector.extract_strided_slice %add3A_34 {offsets = [0, 0], sizes = [256, 128], strides = [1, 1]} : vector<256x256xf32> to vector<256x128xf32>
    %slice3A_36 = vector.extract_strided_slice %add3A_34 {offsets = [0, 128], sizes = [256, 128], strides = [1, 1]} : vector<256x256xf32> to vector<256x128xf32>
    %add3A_37 = arith.addf %slice3A_35, %slice3A_36 : vector<256x128xf32>
    %slice3A_38 = vector.extract_strided_slice %add3A_37 {offsets = [0, 0], sizes = [256, 64], strides = [1, 1]} : vector<256x128xf32> to vector<256x64xf32>
    %slice3A_39 = vector.extract_strided_slice %add3A_37 {offsets = [0, 64], sizes = [256, 64], strides = [1, 1]} : vector<256x128xf32> to vector<256x64xf32>
    %add3A_40 = arith.addf %slice3A_38, %slice3A_39 : vector<256x64xf32>
    %slice3A_41 = vector.extract_strided_slice %add3A_40 {offsets = [0, 0], sizes = [256, 32], strides = [1, 1]} : vector<256x64xf32> to vector<256x32xf32>
    %slice3A_42 = vector.extract_strided_slice %add3A_40 {offsets = [0, 32], sizes = [256, 32], strides = [1, 1]} : vector<256x64xf32> to vector<256x32xf32>
    %add3A_43 = arith.addf %slice3A_41, %slice3A_42 : vector<256x32xf32>
    %swap3A = arith.constant 0 : index
    %swap3A_44 = arith.constant 0 : index
    %swap3A_45 = vector.load %arg8[%swap3A, %swap3A_44] : memref<256x32xf32, #tpu.memory_space<vmem>>, vector<256x32xf32>
    tpu.vector_store %arg8[%swap3A, %swap3A_44], %add3A_43 {strides = array<i32>} : memref<256x32xf32, #tpu.memory_space<vmem>>, vector<256x32xf32>,
    return
  }
  func.func @transform_0(%arg0: i32) -> (i32, i32) {
    %c0_i32 = arith.constant 0 : i32
    %c0_i32_0 = arith.constant 0 : i32
    return %arg0, %c0_i32 : i32, i32
  }
  func.func @transform_1(%arg0: i32) -> (i32, i32) {
    %c0_i32 = arith.constant 0 : i32
    %c0_i32_0 = arith.constant 0 : i32
    return %arg0, %c0_i32 : i32, i32
  }
  func.func @transform_2(%arg0: i32) -> (i32, i32) {
    %c0_i32 = arith.constant 0 : i32
    %c0_i32_0 = arith.constant 0 : i32
    %c0_i32_1 = arith.constant 0 : i32
    return %c0_i32, %c0_i32_0 : i32, i32
  }
  func.func @transform_3(%arg0: i32) -> (i32, i32) {
    %c0_i32 = arith.constant 0 : i32
    %c0_i32_0 = arith.constant 0 : i32
    %c0_i32_1 = arith.constant 0 : i32
    return %c0_i32, %c0_i32_0 : i32, i32
  }
  func.func @transform_4(%arg0: i32) -> (i32, i32) {
    %c0_i32 = arith.constant 0 : i32
    %c0_i32_0 = arith.constant 0 : i32
    %c0_i32_1 = arith.constant 0 : i32
    return %c0_i32, %c0_i32_0 : i32, i32
  }
  func.func @transform_5(%arg0: i32) -> (i32, i32) {
    %c0_i32 = arith.constant 0 : i32
    %c0_i32_0 = arith.constant 0 : i32
    %c0_i32_1 = arith.constant 0 : i32
    return %c0_i32, %c0_i32_0 : i32, i32
  }
  func.func @transform_6(%arg0: i32) -> (i32, i32) {
    %c0_i32 = arith.constant 0 : i32
    %c0_i32_0 = arith.constant 0 : i32
    %c0_i32_1 = arith.constant 0 : i32
    return %c0_i32, %c0_i32_0 : i32, i32
  }
  func.func @transform_7(%arg0: i32) -> (i32, i32) {
    %c0_i32 = arith.constant 0 : i32
    %c0_i32_0 = arith.constant 0 : i32
    return %arg0, %c0_i32 : i32, i32
  }
}

module attributes {stable_mosaic.version = 14 : i64} {
  func.func @body(%arg0: memref<2x10000x32xf32, #tpu.memory_space<vmem>>, %arg1: memref<10000x32xf32, #tpu.memory_space<vmem>>, %arg2: memref<32x96xf32, #tpu.memory_space<vmem>>, %arg3: memref<32x96xf32, #tpu.memory_space<vmem>>, %arg4: memref<1x96xf32, #tpu.memory_space<vmem>>, %arg5: memref<1x96xf32, #tpu.memory_space<vmem>>, %arg6: memref<10000x32xf32, #tpu.memory_space<vmem>>) attributes {dimension_semantics = [], scalar_prefetch = 0 : i64, scratch_operands = 0 : i64, tpu.core_type = #tpu.core_type<tc>} {
    %get3A = arith.constant 0 : index
    %get3A_0 = arith.constant 0 : index
    %get3A_1 = arith.constant 0 : index
    %get3A_2 = vector.load %arg0[%get3A, %get3A_0, %get3A_1] : memref<2x10000x32xf32, #tpu.memory_space<vmem>>, vector<1x10000x32xf32>
    %get3A_3 = vector.shape_cast %get3A_2 : vector<1x10000x32xf32> to vector<10000x32xf32>
    %get3A_4 = arith.constant 1 : index
    %get3A_5 = arith.constant 0 : index
    %get3A_6 = arith.constant 0 : index
    %get3A_7 = vector.load %arg0[%get3A_4, %get3A_5, %get3A_6] : memref<2x10000x32xf32, #tpu.memory_space<vmem>>, vector<1x10000x32xf32>
    %get3A_8 = vector.shape_cast %get3A_7 : vector<1x10000x32xf32> to vector<10000x32xf32>
    %add3A = arith.addf %get3A_3, %get3A_8 : vector<10000x32xf32>
    %get3A_9 = arith.constant 0 : index
    %get3A_10 = arith.constant 0 : index
    %get3A_11 = vector.load %arg1[%get3A_9, %get3A_10] : memref<10000x32xf32, #tpu.memory_space<vmem>>, vector<10000x32xf32>
    %get3A_12 = arith.constant 0 : index
    %get3A_13 = arith.constant 0 : index
    %get3A_14 = vector.load %arg2[%get3A_12, %get3A_13] : memref<32x96xf32, #tpu.memory_space<vmem>>, vector<32x96xf32>
    %dot_general3A = arith.constant dense<0.000000e+00> : vector<10000x96xf32>
    %dot_general3A_15 = tpu.matmul %add3A, %get3A_14, %dot_general3A {dimension_numbers = #tpu.dot_dimension_numbers<[1], [0], [0], [1], [0, 0, 1, 1], [], []>, transpose_lhs_hint = false} : vector<10000x32xf32>, vector<32x96xf32>, vector<10000x96xf32> -> vector<10000x96xf32>
    %get3A_16 = arith.constant 0 : index
    %get3A_17 = arith.constant 0 : index
    %get3A_18 = vector.load %arg4[%get3A_16, %get3A_17] : memref<1x96xf32, #tpu.memory_space<vmem>>, vector<1x96xf32>
    %add3A_19 = vector.broadcast %get3A_18 : vector<1x96xf32> to vector<10000x96xf32>
    %add3A_20 = arith.addf %dot_general3A_15, %add3A_19 : vector<10000x96xf32>
    %get3A_21 = arith.constant 0 : index
    %get3A_22 = arith.constant 0 : index
    %get3A_23 = vector.load %arg3[%get3A_21, %get3A_22] : memref<32x96xf32, #tpu.memory_space<vmem>>, vector<32x96xf32>
    %dot_general3A_24 = arith.constant dense<0.000000e+00> : vector<10000x96xf32>
    %dot_general3A_25 = tpu.matmul %get3A_11, %get3A_23, %dot_general3A_24 {dimension_numbers = #tpu.dot_dimension_numbers<[1], [0], [0], [1], [0, 0, 1, 1], [], []>, transpose_lhs_hint = false} : vector<10000x32xf32>, vector<32x96xf32>, vector<10000x96xf32> -> vector<10000x96xf32>
    %get3A_26 = arith.constant 0 : index
    %get3A_27 = arith.constant 0 : index
    %get3A_28 = vector.load %arg5[%get3A_26, %get3A_27] : memref<1x96xf32, #tpu.memory_space<vmem>>, vector<1x96xf32>
    %add3A_29 = vector.broadcast %get3A_28 : vector<1x96xf32> to vector<10000x96xf32>
    %add3A_30 = arith.addf %dot_general3A_25, %add3A_29 : vector<10000x96xf32>
    %slice3A = vector.extract_strided_slice %add3A_20 {offsets = [0, 0], sizes = [10000, 32], strides = [1, 1]} : vector<10000x96xf32> to vector<10000x32xf32>
    %slice3A_31 = vector.extract_strided_slice %add3A_30 {offsets = [0, 0], sizes = [10000, 32], strides = [1, 1]} : vector<10000x96xf32> to vector<10000x32xf32>
    %add3A_32 = arith.addf %slice3A, %slice3A_31 : vector<10000x32xf32>
    %logistic3A = arith.negf %add3A_32 : vector<10000x32xf32>
    %logistic3A_33 = math.exp %logistic3A : vector<10000x32xf32>
    %logistic3A_34 = arith.constant 1.000000e+00 : f32
    %logistic3A_35 = vector.broadcast %logistic3A_34 : f32 to vector<10000x32xf32>
    %logistic3A_36 = arith.addf %logistic3A_35, %logistic3A_33 : vector<10000x32xf32>
    %logistic3A_37 = arith.divf %logistic3A_35, %logistic3A_36 : vector<10000x32xf32>
    %slice3A_38 = vector.extract_strided_slice %add3A_20 {offsets = [0, 32], sizes = [10000, 32], strides = [1, 1]} : vector<10000x96xf32> to vector<10000x32xf32>
    %slice3A_39 = vector.extract_strided_slice %add3A_30 {offsets = [0, 32], sizes = [10000, 32], strides = [1, 1]} : vector<10000x96xf32> to vector<10000x32xf32>
    %add3A_40 = arith.addf %slice3A_38, %slice3A_39 : vector<10000x32xf32>
    %logistic3A_41 = arith.negf %add3A_40 : vector<10000x32xf32>
    %logistic3A_42 = math.exp %logistic3A_41 : vector<10000x32xf32>
    %logistic3A_43 = arith.constant 1.000000e+00 : f32
    %logistic3A_44 = vector.broadcast %logistic3A_43 : f32 to vector<10000x32xf32>
    %logistic3A_45 = arith.addf %logistic3A_44, %logistic3A_42 : vector<10000x32xf32>
    %logistic3A_46 = arith.divf %logistic3A_44, %logistic3A_45 : vector<10000x32xf32>
    %slice3A_47 = vector.extract_strided_slice %add3A_20 {offsets = [0, 64], sizes = [10000, 32], strides = [1, 1]} : vector<10000x96xf32> to vector<10000x32xf32>
    %slice3A_48 = vector.extract_strided_slice %add3A_30 {offsets = [0, 64], sizes = [10000, 32], strides = [1, 1]} : vector<10000x96xf32> to vector<10000x32xf32>
    %mul3A = arith.mulf %logistic3A_46, %slice3A_48 : vector<10000x32xf32>
    %add3A_49 = arith.addf %slice3A_47, %mul3A : vector<10000x32xf32>
    %tanh3A = math.tanh %add3A_49 : vector<10000x32xf32>
    %mul3A_50 = arith.mulf %logistic3A_37, %get3A_11 : vector<10000x32xf32>
    %sub3A = arith.constant 1.000000e+00 : f32
    %sub3A_51 = vector.broadcast %sub3A : f32 to vector<10000x32xf32>
    %sub3A_52 = arith.subf %sub3A_51, %logistic3A_37 : vector<10000x32xf32>
    %mul3A_53 = arith.mulf %sub3A_52, %tanh3A : vector<10000x32xf32>
    %add3A_54 = arith.addf %mul3A_50, %mul3A_53 : vector<10000x32xf32>
    %swap3A = arith.constant 0 : index
    %swap3A_55 = arith.constant 0 : index
    %swap3A_56 = vector.load %arg6[%swap3A, %swap3A_55] : memref<10000x32xf32, #tpu.memory_space<vmem>>, vector<10000x32xf32>
    tpu.vector_store %arg6[%swap3A, %swap3A_55], %add3A_54 {strides = array<i32>} : memref<10000x32xf32, #tpu.memory_space<vmem>>, vector<10000x32xf32>,
    return
  }
}

</mosaic_0001>

<sc_bundles>
// kernel: kernel.6.cloned.1.call-start
scs
__scs_entry_jumppad:
0x0: {  	(pc) =	sbr.rel $0x88, $3  }
0x1: {  	(tag) =	ssettag $0x0;
	lr =	simm.s32 $0x1  }
0x2: {  	[smem:$0x3F96] =	sst lr;
	_ =	strace $0xD0000000  }
0x3: {  	_ = 	snop  }
0x4: {  	_ = 	snop  }
0x5: {  	_ = 	snop  }
0x6: {  	_ = 	snop  }
0x7: {  	_ = 	snop  }
__scs_overlays_trampoline_lowered:
0x8: {  	[smem:$0x3FA5] =	sst s0  }
0x9: {  	[smem:$0x3FA6] =	sst s1  }
0xa: {  	[smem:$0x3FA7] =	sst s2  }
0xb: {  	[smem:$0x3FA8] =	sst s3  }
0xc: {  	[smem:$0x3FA9] =	sst s4  }
0xd: {  	[smem:$0x3FAA] =	sst s5  }
0xe: {  	[smem:$0x3FAB] =	sst s6  }
0xf: {  	[smem:$0x3FAC] =	sst s7  }
0x10: {  	[smem:$0x3FAD] =	sst s8  }
0x11: {  	[smem:$0x3FAE] =	sst s9;
	s0 =	simm.s32 @!p0 $0x0  }
0x12: {  	s1 =	sld [smem:$0x3F94];
	s0 =	simm.s32 @p0 $0x1  }
0x13: {  	[smem:$0x3FAF] =	sst s0;
	s0 =	simm.s32 @!p1 $0x0  }
0x14: {  	s2 =	sld [smem:$0x3F93];
	s0 =	simm.s32 @p1 $0x1  }
0x15: {  	[smem:$0x3FB0] =	sst s0;
	s0 =	simm.s32 @!p2 $0x0  }
0x16: {  	s3 =	sld [smem:$0x3FDB];
	s0 =	simm.s32 @p2 $0x1  }
0x17: {  	s4 =	simm.s32 $0x1BF5;
	[smem:$0x3FB2] =	sst s0  }
0x18: {  	s0 =	sld [smem:$0x3F95];
	_ =	swait.ge [sflag:s4], $0x0  }
0x19: {  	s7 =	sld [smem:$0x3F96]  }
0x1a: {  	s8 =	sadd.s32 $0xFFFFE003, lr  }
0x1b: {  	s9 =	sadd.s32 $0xFFFFFEF7, lr;
	s5 =	simm.s32 $0xFFFFFFFF;
	p2 =	slt.u32 s8, $0xFFFFF086  }
0x1c: {  	p1 =	slt.u32 s9, $0xF7A;
	s5 =	simm.s32 @!p2 $0x0  }
0x1d: {  	s5 =	simm.s32 @p1 $0x1;
	p0 =	seq.s32 s7, s2  }
0x1e: {  	s7 =	smul.u32 @!p0 $0xF7A, s2;
	p2 =	seq.s32 @!p0 s5, $0x0  }
0x1f: {  	s9 =	smul.u32 $0xF7A, s1;
	s8 =	simm.s32 @!p0 $0x1BF5;
	p2 =	por !p2, p0  }
0x20: {  	[sflag:s8] =	ssyncset.s32 @!p0 $0xFFFFF086;
	s6 =	sadd.s32 @!p0 s3, s7;
	s7 =	simm.s32 @!p0 $0x108  }
0x21: {  	s3 =	sadd.s32 s3, s9;
	s6 =	sadd.s32 @!p0 $0x88, s6;
	s7 =	simm.s32 @p2 $0x1082  }
0x22: {  	[simem:s7], [sflag:s8] =	dma.local @!p0 [hbm:s6], $0xF7A  }
0x23: {  	s9 =	sor.u32 $0xD0000000, s2;
	s6 =	simm.s32 $0x108;
	_ =	swait.ge @!p0 [sflag:s8], $0x0  }
0x24: {  	s3 =	sadd.s32 $0x88, s3;
	s6 =	simm.s32 @!p1 $0x1082;
	[sflag:s4] =	ssyncset.s32 $0xFFFFF086  }
0x25: {  	[simem:s6], [sflag:s4] =	dma.local [hbm:s3], $0xF7A  }
0x26: {  	[smem:$0x3F96] =	sst s1;
	(tag) =	ssettag s2;
	_ =	strace s9  }
0x27: {  	s1 =	sld [smem:$0x3FA6]  }
0x28: {  	s2 =	sld [smem:$0x3FA7]  }
0x29: {  	s4 =	sld [smem:$0x3FA9]  }
0x2a: {  	p0 =	seq.s32 s5, $0x0;
	s5 =	sld [smem:$0x3FAA]  }
0x2b: {  	s6 =	sld [smem:$0x3FAB]  }
0x2c: {  	s7 =	sld [smem:$0x3FAC]  }
0x2d: {  	s3 =	simm.s32 $0x108;
	s8 =	sld [smem:$0x3FAD]  }
0x2e: {  	s3 =	simm.s32 @!p0 $0x1082;
	s9 =	sld [smem:$0x3FAE]  }
0x2f: {  	lr =	sadd.s32 s0, s3;
	s0 =	sld [smem:$0x3FA5]  }
0x30: {  	s3 =	sld [smem:$0x3FA8]  }
0x31: {  	[smem:$0x3FB1] =	sst s10  }
0x32: {  	s10 =	sld [smem:$0x3FAF];
	_ =	sdelay $0x3  }
0x33: {  	p0 =	seq.s32 s10, $0x1;
	s10 =	sld [smem:$0x3FB1];
	_ =	sdelay $0x3  }
0x34: {  	[smem:$0x3FB1] =	sst s10  }
0x35: {  	s10 =	sld [smem:$0x3FB0];
	_ =	sdelay $0x3  }
0x36: {  	p1 =	seq.s32 s10, $0x1;
	s10 =	sld [smem:$0x3FB1];
	_ =	sdelay $0x3  }
0x37: {  	[smem:$0x3FB1] =	sst s10  }
0x38: {  	s10 =	sld [smem:$0x3FB2]  }
0x39: {  	_ = 	snop;
	(pc) =	sbr.ind lr, $3  }
0x3a: {  	_ = 	snop  }
0x3b: {  	_ = 	snop  }
0x3c: {  	p2 =	seq.s32 s10, $0x1;
	s10 =	sld [smem:$0x3FB1]  }
0x3d: {  	_ =	shalt  }
0x3e: {  	_ =	shalt  }
0x3f: {  	_ =	shalt  }
0x40: {  	_ =	shalt  }
0x41: {  	_ =	shalt  }
0x42: {  	_ =	shalt  }
0x43: {  	_ =	shalt  }
0x44: {  	_ =	shalt  }
0x45: {  	_ =	shalt  }
0x46: {  	_ =	shalt  }
0x47: {  	_ =	shalt  }
0x48: {  	_ =	shalt  }
0x49: {  	_ =	shalt  }
0x4a: {  	_ =	shalt  }
0x4b: {  	_ =	shalt  }
0x4c: {  	_ =	shalt  }
0x4d: {  	_ =	shalt  }
0x4e: {  	_ =	shalt  }
0x4f: {  	_ =	shalt  }
0x50: {  	_ =	shalt  }
0x51: {  	_ =	shalt  }
0x52: {  	_ =	shalt  }
0x53: {  	_ =	shalt  }
0x54: {  	_ =	shalt  }
0x55: {  	_ =	shalt  }
0x56: {  	_ =	shalt  }
0x57: {  	_ =	shalt  }
0x58: {  	_ =	shalt  }
0x59: {  	_ =	shalt  }
0x5a: {  	_ =	shalt  }
0x5b: {  	_ =	shalt  }
0x5c: {  	_ =	shalt  }
0x5d: {  	_ =	shalt  }
0x5e: {  	_ =	shalt  }
0x5f: {  	_ =	shalt  }
0x60: {  	_ =	shalt  }
0x61: {  	_ =	shalt  }
0x62: {  	_ =	shalt  }
0x63: {  	_ =	shalt  }
0x64: {  	_ =	shalt  }
0x65: {  	_ =	shalt  }
0x66: {  	_ =	shalt  }
0x67: {  	_ =	shalt  }
0x68: {  	_ =	shalt  }
0x69: {  	_ =	shalt  }
0x6a: {  	_ =	shalt  }
0x6b: {  	_ =	shalt  }
0x6c: {  	_ =	shalt  }
0x6d: {  	_ =	shalt  }
0x6e: {  	_ =	shalt  }
0x6f: {  	_ =	shalt  }
0x70: {  	_ =	shalt  }
0x71: {  	_ =	shalt  }
0x72: {  	_ =	shalt  }
0x73: {  	_ =	shalt  }
0x74: {  	_ =	shalt  }
0x75: {  	_ =	shalt  }
0x76: {  	_ =	shalt  }
0x77: {  	_ =	shalt  }
0x78: {  	_ =	shalt  }
0x79: {  	_ =	shalt  }
0x7a: {  	_ =	shalt  }
0x7b: {  	_ =	shalt  }
0x7c: {  	_ =	shalt  }
0x7d: {  	_ =	shalt  }
0x7e: {  	_ =	shalt  }
0x7f: {  	_ =	shalt  }
0x80: {  	_ =	shalt  }
0x81: {  	_ =	shalt  }
0x82: {  	_ =	shalt  }
0x83: {  	_ =	shalt  }
0x84: {  	_ =	shalt  }
0x85: {  	_ =	shalt  }
0x86: {  	_ =	shalt  }
0x87: {  	_ =	shalt  }
.Lfunc_end0:
.L_simem_size_0:
called_computation_lowered:
.L_overlay_start_0:
0x88: {  	s2 =	sld [smem:$0x3FD9]  }
0x89: {  	s3 =	sld [smem:$0x3FFE];
	_ =	sdelay $0x1  }
0x8a: {  	s1 =	srdreg.scid  }
0x8b: {  	s0 =	sand.u32 $0x1, s1  }
0x8c: {  	s14 =	sshll.u32 s0, $0xA;
	s2 =	sadd.s32 s3, s2  }
0x8d: {  	s2 =	sadd.s32 s2, s14  }
0x8e: {  	[smem:$0x3FBD] =	sst s2  }
0x8f: {  	_ = 	snop  }
0x90: {  	s2 =	sld [smem:$0x3FD0];
	_ =	sdelay $0x2  }
0x91: {  	s15 =	simm.s32 $0xA;
	s4 =	simm.s32 $0x10  }
0x92: {  	[smem:s4], [sflag:s15] =	dma.local [hbm:s2], $0x1  }
0x93: {  	_ =	swait.eq [sflag:s15], $0x1  }
0x94: {  	[sflag:s15] =	ssyncset.done $0x0  }
0x95: {  	[sflag:s15] =	ssyncadd.s32 $0xFFFFFFFF  }
0x96: {  	s16 =	sld [smem:$0x11];
	(tm) =	ssettm $0x1  }
0x97: {  	s17 =	sld [smem:$0x3FFB];
	_ =	sdelay $0x3  }
0x98: {  	_ =	strace s17  }
0x99: {  	s3 =	sld [smem:$0x3FFC];
	_ =	sdelay $0x3  }
0x9a: {  	_ =	strace s3  }
0x9b: {  	s3 =	sld [smem:$0x3FFD];
	_ =	sdelay $0x3  }
0x9c: {  	_ =	strace s3  }
0x9d: {  	_ =	strace $0x8FFFFFFF  }
0x9e: {  	s18 =	sld [smem:$0x3FDB];
	_ =	sdelay $0x1  }
0x9f: {  	s19 =	simm.s32 $_scs_section_size  }
0xa0: {  	s5 =	simm.s32 $_size__tile_overlayer_lowered;
	s6 =	simm.s32 $_tile_overlayer_lowered  }
0xa1: {  	s22 =	simm.s32 $0x1BFF;
	s21 =	sshll.u32 s6, $0x1;
	s3 =	sadd.s32 s19, s18  }
0xa2: {  	s7 =	simm.s32 $0x0;
	s20 =	sshll.u32 s5, $0x1;
	s5 =	sadd.s32 s21, s3  }
0xa3: {  	[timem:s7], [sflag:s22] =	dma.local [hbm:s5], s20  }
0xa4: {  	_ =	swait.ge [sflag:s22], s20  }
0xa5: {  	s4 =	ssub.s32 $0x0, s20;
	[sflag:s22] =	ssyncset.done $0x0  }
0xa6: {  	[sflag:s22] =	ssyncadd.s32 s4;
	_ =	sdelay $0x1  }
0xa7: {  	s23 =	simm.s32 $0x1B8B  }
0xa8: {  	_ =	swait.ge [sflag:s23], $0x1  }
0xa9: {  	[sflag:s23] =	ssyncset.done $0x0  }
0xaa: {  	s25 =	simm.s32 $0x1B8E;
	s24 =	sld [smem:$0x3FFE];
	[sflag:s23] =	ssyncadd.s32 $0xFFFFFFFF  }
0xab: {  	s26 =	simm.s32 $execute0_lowered;
	[smem:$0x3FD2] =	sst s25  }
0xac: {  	s5 =	sshll.u32 s26, $0x1;
	_ =	strace $0x80000046;
	[dreg:$0x1] =	wrdreg $0xFFFFFFFF  }
0xad: {  	s28 =	simm.s32 $_size_execute0_lowered;
	s3 =	sadd.s32 s3, s5;
	[dreg:$0x0] =	wrdreg $0x0  }
0xae: {  	s5 =	sshll.u32 s28, $0x1;
	[dreg:$0x2] =	wrdreg s3  }
0xaf: {  	[dreg:$0x3] =	wrdreg s5  }
0xb0: {  	[dreg:$0x4] =	wrdreg $0xC0  }
0xb1: {  	_ =	task [dreg:s7], $0x5FFFF  }
0xb2: {  	[dreg:$0x1] =	wrdreg $0xFFFFFFFF  }
0xb3: {  	[dreg:$0x0] =	wrdreg $0x60  }
0xb4: {  	[dreg:$0x2] =	wrdreg s16  }
0xb5: {  	[dreg:$0x3] =	wrdreg s24  }
0xb6: {  	[dreg:$0x4] =	wrdreg $0x9  }
0xb7: {  	_ =	task.clear_ibuf [dreg:s7], $0x5FFFF;
	_ =	strace $0x90000046  }
0xb8: {  	s29 =	simm.s32 $0x9;
	_ =	strace $0x8000004F  }
0xb9: {  	_ =	swait.ge [sflag:s29], $0x1  }
0xba: {  	[sflag:s29] =	ssyncadd.s32 $0xFFFFFFFF  }
0xbb: {  	_ =	strace $0x9000004F  }
0xbc: {  	_ =	sfence  }
0xbd: {  	s30 =	sld [smem:$0x0];
	_ =	sdelay $0x2  }
0xbe: {  	s31 =	sshll.u32 s1, $0xD;
	s1 =	sshrl.u32 s1, $0x2  }
0xbf: {  	s3 =	sand.u32 $0x4000, s31;
	s1 =	sadd.s32 s1, s30  }
0xc0: {  	s0 =	sor.u32 s3, s0;
	s1 =	sshll.u32 s1, $0x11  }
0xc1: {  	s0 =	sor.u32 s1, s0  }
0xc2: {  	s0 =	sadd.s32 $0x8F2B, s0  }
0xc3: {  	[sflag:s0] =	ssyncadd.remote.s32 $0x1  }
0xc4: {  	_ =	sfence.sel $0xFFFF  }
0xc5: {  	[dreg:$0x0] =	wrdreg $0xFFFFFFFF;
	(pc) =	sbr.abs _section_cstart, $3  }
0xc6: {  	[dreg:$0x1] =	wrdreg $0xFFFFFFFF  }
0xc7: {  	_ =	task.clear_ibuf [dreg:s7], $0x2FFFF;
	_ =	strace $0x9FFFFFFF  }
0xc8: {  	(tm) =	ssettm $0x7FFFFFFF  }
0xc9: {  	_ =	shalt  }
tec
execute0_lowered:
.L_overlay_start_1:
0x0: {  	(tag) =	ssettag $0x1  }
0x1: {  	s0 =	rddreg [dreg:$0x0];
	s1 =	srdreg.scid  }
0x2: {  	s4 =	rddreg [dreg:$0x1];
	s2 =	simm.s32 $0x0;
	s9 =	simm.s32 $0x1  }
0x3: {  	s10 =	simm.s32 $0x80;
	[dreg:$0x3] =	wrdreg s0;
	s5 =	sand.u32 $0x1, s1  }
0x4: {  	s1 =	stileid.u32;
	s0 =	rddreg [dreg:$0x2];
	s3 =	sshll.u32 s5, $0x4  }
0x5: {  	s11 =	simm.s32 $0x0;
	[smem:$0x7FF] =	sst s2;
	s3 =	sor.u32 s1, s3  }
0x6: {  	s8 =	sadd.s32 $0x6E00, s4;
	s4 =	sadd.s32 $0x1E00, s4;
	s6 =	smul.u32 $0x27, s3  }
0x7: {  	_ =	strace $0x80000047;
	[dreg:$0x5] =	wrdreg s8;
	s7 =	smul.u32 $0x28, s3  }
0x8: {  	s30 =	ssub.s32 $0x2, s5;
	p0 =	slt.u32 s3, $0x2;
	s3 =	sadd.s32 $0x2, s6  }
0x9: {  	s5 =	simm.s32 $0x28;
	[dreg:$0x4] =	wrdreg s10;
	s3 =	smov.u32 @p0 s7  }
0xa: {  	s10 =	simm.s32 $0x5;
	s31 =	sshrl.u32 s30, $0x1;
	s7 =	sshll.u32 s3, $0x4  }
0xb: {  	s8 =	ssub.s32 s30, s31;
	s5 =	simm.s32 @!p0 $0x27;
	s7 =	sand.u32 $0x1FFFFFF0, s7  }
0xc: {  	s8 =	smax.u32 s8, $0x1;
	s6 =	sadd.s32 s4, s7;
	s7 =	sadd.s32 $0xFFFFFFFF, s5  }
.LBB2_1:
0xd: {  	_ =	strace $0x80000048;
	p2 =	sne.s32 s5, $0x1  }
.Ltmp0:
0xe: {  	p0 =	seq.s32 s5, $0x1;
	s13 =	simm.s32 $0x1;
	(pc) =	sbr.rel @!p2 .LBB2_2-.Ltmp0, $4  }
0xf: {  	[tilespmem:s2], [sflag:$0x1] =	stream.linear.gather [hbm4b:s6+s2], $0x80, $0x200038;
	[tilespmem:$0x2100] =	vst v63  }
0x10: {  	s12 =	simm.s32 $0x1;
	p1 =	por $0x1, $0x1;
	s13 =	simm.s32 @p0 $0x0  }
0x11: {  	p6 =	sgt.u32 s7, $0x0;
	p4 =	por p1, p1;
	p3 =	sne.s32 s13, $0x0  }
0x12: {  	_ =	strace $0x90000048;
	p5 =	por !p6, !p3;
	p6 =	por $0x0, $0x0  }
0x13: {  	p2 =	por !p5, !p5  }
0x14: {  	s21 =	sand.u32 $0x1, s2;
	s19 =	simm.s32 $0x2;
	s14 =	sadd.s32 @p2 s3, s13  }
0x15: {  	p1 =	por p3, p3;
	s15 =	sand.u32 @p2 $0x1, s9;
	s14 =	sshll.u32 @p2 s14, $0x4  }
0x16: {  	_ =	strace @p2 $0x80000049;
	s17 =	simm.s32 @p2 $0x0;
	s14 =	sand.u32 @p2 $0x1FFFFFF0, s14  }
0x17: {  	s16 =	sshll.u32 @p2 s15, $0x7;
	s15 =	sadd.s32 @p2 $0x1, s15;
	s14 =	sadd.s32 @p2 s4, s14  }
0x18: {  	[tilespmem:s16], [sflag:s15] =	stream.linear.gather @p2 [hbm4b:s14+s17], $0x80, $0x200038;
	[tilespmem:$0x2100] =	vst v63  }
0x19: {  	s30 =	simm.s32 $0x0;
	p6 =	por $0x0, $0x0;
	_ =	strace @p2 $0x90000049  }
0x1a: {  	p0 =	sne.s32 s5, $0x2;
	s29 =	sadd.s32 $0x1, s21;
	_ =	strace $0x8000004A  }
0x1b: {  	s24 =	sadd.s32 $0x0, s3;
	p5 =	sgt.u32 s7, $0x1;
	_ =	swait.ge [sflag:s29], $0x80  }
0x1c: {  	s23 =	simm.s32 $0x1;
	s22 =	sshll.u32 s21, $0xC;
	[sflag:s29] =	ssyncset.done $0x0  }
0x1d: {  	s22 =	sor.u32 $0x100, s22;
	s16 =	sand.u32 @!p4 $0x1, s2;
	[sflag:s29] =	ssyncadd.s32 $0xFFFFFF80  }
0x1e: {  	s15 =	simm.s32 $0x1;
	s17 =	sadd.s32 $0x1, s13;
	_ =	strace $0x9000004A  }
0x1f: {  	s14 =	sand.u32 $0x80, s30;
	s15 =	simm.s32 @!p2 $0x0;
	_ =	strace $0x8000004B  }
0x20: {  	p2 =	por p4, p4;
	p4 =	por p6, p6;
	s20 =	rddreg [dreg:$0x4]  }
0x21: {  	p3 =	seq.s32 s17, s5;
	p6 =	seq.s32 s7, $0x0;
	s31 =	rddreg [dreg:$0x3]  }
0x22: {  	[tilespmem:s22], [sflag:$0x5] =	stream.indirect.gather [hbm4b:s31+s20], $0x20, s14, s20, $0x2000b8;
	[tilespmem:$0x2100] =	vst v63  }
.Ltmp1:
0x23: {  	s18 =	sadd.s32 $0x1, s15;
	s17 =	simm.s32 @p3 $0x0;
	(pc) =	sbr.rel @!p0 .LBB2_4-.Ltmp1, $4  }
0x24: {  	p1 =	por p6, p1;
	p6 =	por $0x0, $0x0;
	_ =	swait.ge [sflag:s10], $0x1000  }
0x25: {  	s15 =	simm.s32 $0x0;
	p3 =	sne.s32 s13, s17;
	[sflag:s10] =	ssyncset.done $0x0  }
0x26: {  	s23 =	simm.s32 @!p6 $0x0;
	p5 =	por !p5, !p3;
	[sflag:s10] =	ssyncadd.s32 $0xFFFFF000  }
0x27: {  	s14 =	simm.s32 $0x0;
	s20 =	simm.s32 $0x0;
	_ =	strace $0x9000004B  }
.LBB2_5:
0x28: {  	_ =	strace @p1 $0x8000004C;
	s14 =	sadd.s32 s23, s14;
	s23 =	smov.u32 s12  }
0x29: {  	s12 =	smov.u32 s19;
	s19 =	sadd.s32 $0x1, s19;
	p0 =	por p3, p3  }
0x2a: {  	s29 =	sshll.u32 @p1 s24, $0x9;
	s21 =	sadd.s32 @p1 $0x3, s21;
	s25 =	simm.s32 @!p0 $0x0  }
0x2b: {  	s26 =	rddreg [dreg:$0x5];
	s29 =	sand.u32 @p1 $0x1FFFFE00, s29;
	s25 =	simm.s32 @p0 $0x1  }
0x2c: {  	s26 =	sadd.s32 @p1 s26, s29;
	s29 =	simm.s32 @p1 $0x0;
	p0 =	sne.s32 s5, s19  }
0x2d: {  	[hbm4b:s26+s29] =	stream.linear.scatter @p1 [tilespmem:s22], [sflag:s21], $0x1000, $0x200038;
	[tilespmem:$0x2100] =	vst v63  }
0x2e: {  	s21 =	sadd.s32 @!p2 $0x3, s16;
	s16 =	simm.s32 @!p0 $0x0  }
0x2f: {  	s28 =	simm.s32 $0x1;
	[smem:$0x7FC] =	sst s25;
	s16 =	simm.s32 @p0 $0x1  }
0x30: {  	s28 =	simm.s32 @!p1 $0x0;
	_ =	strace @p1 $0x9000004C;
	[smem:$0x7FD] =	sst s16  }
0x31: {  	s20 =	sadd.s32 s28, s20;
	s25 =	sand.u32 @!p4 $0x1, s14;
	_ =	strace @!p2 $0x8000004D  }
0x32: {  	p1 =	por !p5, !p5;
	s16 =	smov.u32 s25;
	_ =	swait.ge @!p2 [sflag:s21], $0x1000  }
0x33: {  	s22 =	sand.u32 @p1 $0x1, s18;
	s25 =	sadd.s32 @p1 s3, s17;
	[sflag:s21] =	ssyncset.done @!p2 $0x0  }
0x34: {  	s26 =	sshll.u32 @p1 s22, $0x7;
	s25 =	sshll.u32 @p1 s25, $0x4;
	[sflag:s21] =	ssyncadd.s32 @!p2 $0xFFFFF000  }
0x35: {  	s21 =	sadd.s32 @p1 $0x1, s22;
	s22 =	sand.u32 @p1 $0x1FFFFFF0, s25;
	_ =	strace @!p2 $0x9000004D  }
0x36: {  	s25 =	simm.s32 @p1 $0x0;
	s22 =	sadd.s32 @p1 s4, s22;
	_ =	strace @p1 $0x80000049  }
0x37: {  	[tilespmem:s26], [sflag:s21] =	stream.linear.gather @p1 [hbm4b:s22+s25], $0x80, $0x200038;
	[tilespmem:$0x2100] =	vst v63  }
0x38: {  	s15 =	sadd.s32 s28, s15;
	s28 =	sand.u32 $0x1, s20;
	_ =	strace @p1 $0x90000049  }
0x39: {  	s28 =	sadd.s32 $0x1, s28;
	_ =	strace $0x8000004A  }
0x3a: {  	_ =	swait.ge [sflag:s28], $0x80  }
0x3b: {  	[sflag:s28] =	ssyncset.done $0x0  }
0x3c: {  	s21 =	simm.s32 $0x1;
	[sflag:s28] =	ssyncadd.s32 $0xFFFFFF80  }
0x3d: {  	s21 =	simm.s32 @!p1 $0x0;
	_ =	strace $0x9000004A  }
0x3e: {  	s18 =	sadd.s32 s21, s18;
	s21 =	sand.u32 $0x1, s15;
	_ =	strace $0x8000004B  }
0x3f: {  	s31 =	sshll.u32 s20, $0x7;
	s29 =	sshll.u32 s21, $0xC;
	s25 =	rddreg [dreg:$0x4]  }
0x40: {  	s31 =	sand.u32 $0x80, s31;
	s22 =	sor.u32 $0x100, s29;
	s26 =	rddreg [dreg:$0x3]  }
0x41: {  	[tilespmem:s22], [sflag:$0x5] =	stream.indirect.gather [hbm4b:s26+s25], $0x20, s31, s25, $0x2000b8;
	[tilespmem:$0x2100] =	vst v63  }
0x42: {  	_ =	swait.ge [sflag:s10], $0x1000  }
0x43: {  	[sflag:s10] =	ssyncset.done $0x0  }
0x44: {  	[sflag:s10] =	ssyncadd.s32 $0xFFFFF000  }
0x45: {  	s30 =	sadd.s32 $0x1, s17;
	_ =	strace $0x9000004B  }
0x46: {  	s24 =	sadd.s32 s3, s13;
	s13 =	smov.u32 s17;
	s31 =	sld [smem:$0x7FD]  }
0x47: {  	p0 =	sne.s32 s23, $0x0;
	s17 =	smov.u32 s30;
	p1 =	seq.s32 s30, s5  }
0x48: {  	s17 =	simm.s32 @p1 $0x0;
	p1 =	seq.s32 s7, s23;
	s23 =	simm.s32 $0x1  }
0x49: {  	s23 =	simm.s32 @!p0 $0x0;
	p0 =	seq.s32 s31, $0x1  }
.Ltmp2:
0x4a: {  	s30 =	sld [smem:$0x7FC];
	(pc) =	sbr.rel @p0 .LBB2_5-.Ltmp2, $4  }
0x4b: {  	p3 =	seq.s32 s12, $0x0  }
0x4c: {  	p6 =	por p3, p3;
	p5 =	slt.u32 s12, s7  }
0x4d: {  	p2 =	por p4, p4;
	p3 =	sne.s32 s13, s17;
	p4 =	seq.s32 s30, $0x1  }
0x4e: {  	p5 =	por !p5, !p3;
	p1 =	por p1, p4;
	p4 =	por p6, p6  }
0x4f: {  	p6 =	por $0x1, $0x1  }
.LBB2_7:
0x50: {  	p0 =	por !p1, !p6  }
0x51: {  	s25 =	simm.s32 $0x1;
	_ =	strace @!p0 $0x8000004C;
	s24 =	sshll.u32 @!p0 s24, $0x9  }
0x52: {  	p2 =	por p2, !p6;
	s19 =	rddreg [dreg:$0x5];
	s24 =	sand.u32 @!p0 $0x1FFFFE00, s24  }
0x53: {  	s21 =	sadd.s32 @!p0 $0x3, s21;
	s19 =	sadd.s32 @!p0 s19, s24;
	s24 =	simm.s32 @!p0 $0x0  }
0x54: {  	[hbm4b:s19+s24] =	stream.linear.scatter @!p0 [tilespmem:s22], [sflag:s21], $0x1000, $0x200038;
	[tilespmem:$0x2100] =	vst v63  }
0x55: {  	p1 =	por !p5, !p5;
	s25 =	simm.s32 @p0 $0x0;
	_ =	strace @!p0 $0x9000004C  }
0x56: {  	s16 =	sadd.s32 @!p2 $0x3, s16;
	s17 =	sadd.s32 @p1 s3, s17;
	_ =	strace @!p2 $0x8000004D  }
0x57: {  	s18 =	sand.u32 @p1 $0x1, s18;
	s17 =	sshll.u32 @p1 s17, $0x4;
	_ =	swait.ge @!p2 [sflag:s16], $0x1000  }
0x58: {  	s17 =	sand.u32 @p1 $0x1FFFFFF0, s17;
	s19 =	sadd.s32 @p6 s25, s20;
	[sflag:s16] =	ssyncset.done @!p2 $0x0  }
0x59: {  	s20 =	simm.s32 $0x0;
	s17 =	sadd.s32 @p1 s4, s17;
	[sflag:s16] =	ssyncadd.s32 @!p2 $0xFFFFF000  }
0x5a: {  	s20 =	smov.u32 @p6 s19;
	s19 =	sshll.u32 @p1 s18, $0x7;
	_ =	strace @!p2 $0x9000004D  }
0x5b: {  	s16 =	sadd.s32 @p1 $0x1, s18;
	s18 =	simm.s32 @p1 $0x0;
	_ =	strace @p1 $0x80000049  }
0x5c: {  	[tilespmem:s19], [sflag:s16] =	stream.linear.gather @p1 [hbm4b:s17+s18], $0x80, $0x200038;
	[tilespmem:$0x2100] =	vst v63  }
0x5d: {  	s26 =	sand.u32 $0x1, s20;
	_ =	strace @p1 $0x90000049  }
0x5e: {  	s16 =	sadd.s32 $0x1, s26;
	_ =	strace $0x8000004A  }
0x5f: {  	_ =	swait.ge [sflag:s16], $0x80  }
0x60: {  	[sflag:s16] =	ssyncset.done $0x0  }
0x61: {  	s15 =	sadd.s32 @p6 s25, s15;
	[sflag:s16] =	ssyncadd.s32 $0xFFFFFF80;
	s16 =	simm.s32 $0x0  }
0x62: {  	_ =	strace $0x9000004A;
	s16 =	smov.u32 @p6 s15  }
0x63: {  	_ =	strace $0x8000004B;
	s16 =	sand.u32 $0x1, s16  }
0x64: {  	s30 =	sshll.u32 s20, $0x7;
	s28 =	rddreg [dreg:$0x4];
	s31 =	sshll.u32 s16, $0xC  }
0x65: {  	s18 =	sand.u32 $0x80, s30;
	s29 =	rddreg [dreg:$0x3];
	s19 =	sor.u32 $0x100, s31  }
0x66: {  	[tilespmem:s19], [sflag:$0x5] =	stream.indirect.gather [hbm4b:s29+s28], $0x20, s18, s28, $0x2000b8;
	[tilespmem:$0x2100] =	vst v63  }
0x67: {  	_ =	swait.ge [sflag:s10], $0x1000  }
0x68: {  	p3 =	por p3, p3;
	[sflag:s10] =	ssyncset.done $0x0  }
0x69: {  	p5 =	seq.s32 s7, s12;
	s13 =	sadd.s32 s3, s13;
	[sflag:s10] =	ssyncadd.s32 $0xFFFFF000  }
0x6a: {  	s14 =	sadd.s32 @p6 s23, s14;
	p1 =	por p5, p3;
	_ =	strace $0x9000004B  }
0x6b: {  	s17 =	simm.s32 $0x0;
	s13 =	sshll.u32 @p1 s13, $0x9;
	_ =	strace @p1 $0x8000004C  }
0x6c: {  	s17 =	smov.u32 @p6 s14;
	s13 =	sand.u32 @p1 $0x1FFFFE00, s13;
	s15 =	rddreg [dreg:$0x5]  }
0x6d: {  	s14 =	sadd.s32 @p1 $0x3, s16;
	s13 =	sadd.s32 @p1 s15, s13;
	s15 =	simm.s32 @p1 $0x0  }
0x6e: {  	[hbm4b:s13+s15] =	stream.linear.scatter @p1 [tilespmem:s19], [sflag:s14], $0x1000, $0x200038;
	[tilespmem:$0x2100] =	vst v63  }
0x6f: {  	p0 =	por p4, p4;
	s13 =	sand.u32 @!p4 $0x1, s17;
	_ =	strace @p1 $0x9000004C  }
0x70: {  	s13 =	sadd.s32 @!p0 $0x3, s13;
	_ =	strace @!p0 $0x8000004D  }
0x71: {  	p1 =	sne.s32 s12, $0x0;
	s12 =	simm.s32 $0x1;
	_ =	swait.ge @!p0 [sflag:s13], $0x1000  }
0x72: {  	s12 =	simm.s32 @!p1 $0x0;
	[sflag:s13] =	ssyncset.done @!p0 $0x0  }
0x73: {  	s11 =	sadd.s32 $0x1, s11;
	s12 =	sadd.s32 s12, s17;
	[sflag:s13] =	ssyncadd.s32 @!p0 $0xFFFFF000  }
0x74: {  	s12 =	sand.u32 $0x1, s12;
	_ =	strace @!p0 $0x9000004D;
	p0 =	sne.s32 s11, s8  }
.Ltmp3:
0x75: {  	s12 =	sadd.s32 $0x3, s12;
	_ =	strace $0x8000004E;
	(pc) =	sbr.rel @p0 .LBB2_1-.Ltmp3, $4  }
.Ltmp4:
0x76: {  	_ =	swait.ge [sflag:s12], $0x1000;
	(pc) =	sbr.rel @!p0 .LBB2_8-.Ltmp4, $4  }
0x77: {  	[sflag:s12] =	ssyncset.done $0x0  }
0x78: {  	[sflag:s12] =	ssyncadd.s32 $0xFFFFF000  }
0x79: {  	_ =	strace $0x9000004E  }
0x7a: {  	_ = 	snop  }
.LBB2_2:
.Ltmp5:
0x7b: {  	(pc) =	sbr.rel .LBB2_7-.Ltmp5, $4  }
0x7c: {  	_ = 	snop  }
0x7d: {  	s14 =	simm.s32 $0x0  }
0x7e: {  	s12 =	simm.s32 $0x0;
	s15 =	simm.s32 $0x0;
	s17 =	smov.u32 s13  }
0x7f: {  	s20 =	simm.s32 $0x0;
	s18 =	simm.s32 $0x1;
	s13 =	simm.s32 $0x0  }
.LBB2_4:
.Ltmp6:
0x80: {  	(pc) =	sbr.rel .LBB2_7-.Ltmp6, $3  }
0x81: {  	_ =	sdelay $0x1  }
0x82: {  	s14 =	simm.s32 $0x0  }
0x83: {  	s15 =	simm.s32 $0x0;
	s20 =	simm.s32 $0x0;
	p6 =	por $0x1, $0x1  }
.LBB2_8:
0x84: {  	_ =	sfence.sel $0x180000  }
0x85: {  	[bflag:$0x0] =	sbarrier.arrive $0xFFFF  }
0x86: {  	p0 =	sne.s32 s1, $0x0;
	_ =	strace $0x90000047  }
0x87: {  	s0 =	sadd.s32 @!p0 $0x100000, s0;
	[bflag:$0x2] =	sbarrier.arrive $0xFFFF  }
0x88: {  	[sflag:s0] =	ssyncadd.tile.s32 @!p0 $0x1;
	_ =	shalt  }
.Lfunc_end2:
_tile_overlayer_lowered:
.L_overlay_start_2:
0x89: {  	(tag) =	ssettag $0x2  }
0x8a: {  	s0 =	rddreg [dreg:$0x0];
	s2 =	stileid.u32  }
0x8b: {  	s1 =	rddreg [dreg:$0x1];
	p0 =	sne.s32 s2, $0x0  }
0x8c: {  	s3 =	rddreg [dreg:$0x2];
	[bflag:$0x3] =	sbarrier.arrive $0xFFFF;
	s2 =	simm.s32 @!p0 $0x1C01  }
0x8d: {  	[timem:s3], [sflag:s2] =	dma.local @!p0 [hbm:s0], s1  }
0x8e: {  	s0 =	simm.s32 @!p0 $0x1  }
0x8f: {  	_ =	swait.ge @!p0 [sflag:s0], s1  }
0x90: {  	s1 =	ssub.s32 @!p0 $0x0, s1;
	[sflag:s0] =	ssyncset.done @!p0 $0x0  }
0x91: {  	[sflag:s0] =	ssyncadd.s32 @!p0 s1  }
0x92: {  	[bflag:$0x3] =	sbarrier.arrive $0xFFFF  }
0x93: {  	_ =	shalt  }

// kernel: kernel.9.cloned.1.call-start
scs
__scs_entry_jumppad:
0x0: {  	(pc) =	sbr.rel $0x88, $3  }
0x1: {  	(tag) =	ssettag $0x0;
	lr =	simm.s32 $0x1  }
0x2: {  	[smem:$0x3F96] =	sst lr;
	_ =	strace $0xD0000000  }
0x3: {  	_ = 	snop  }
0x4: {  	_ = 	snop  }
0x5: {  	_ = 	snop  }
0x6: {  	_ = 	snop  }
0x7: {  	_ = 	snop  }
__scs_overlays_trampoline_lowered:
0x8: {  	[smem:$0x3FA5] =	sst s0  }
0x9: {  	[smem:$0x3FA6] =	sst s1  }
0xa: {  	[smem:$0x3FA7] =	sst s2  }
0xb: {  	[smem:$0x3FA8] =	sst s3  }
0xc: {  	[smem:$0x3FA9] =	sst s4  }
0xd: {  	[smem:$0x3FAA] =	sst s5  }
0xe: {  	[smem:$0x3FAB] =	sst s6  }
0xf: {  	[smem:$0x3FAC] =	sst s7  }
0x10: {  	[smem:$0x3FAD] =	sst s8  }
0x11: {  	[smem:$0x3FAE] =	sst s9;
	s0 =	simm.s32 @!p0 $0x0  }
0x12: {  	s1 =	sld [smem:$0x3F94];
	s0 =	simm.s32 @p0 $0x1  }
0x13: {  	[smem:$0x3FAF] =	sst s0;
	s0 =	simm.s32 @!p1 $0x0  }
0x14: {  	s2 =	sld [smem:$0x3F93];
	s0 =	simm.s32 @p1 $0x1  }
0x15: {  	[smem:$0x3FB0] =	sst s0;
	s0 =	simm.s32 @!p2 $0x0  }
0x16: {  	s3 =	sld [smem:$0x3FDB];
	s0 =	simm.s32 @p2 $0x1  }
0x17: {  	s4 =	simm.s32 $0x1BF5;
	[smem:$0x3FB2] =	sst s0  }
0x18: {  	s0 =	sld [smem:$0x3F95];
	_ =	swait.ge [sflag:s4], $0x0  }
0x19: {  	s7 =	sld [smem:$0x3F96]  }
0x1a: {  	s8 =	sadd.s32 $0xFFFFE003, lr  }
0x1b: {  	s9 =	sadd.s32 $0xFFFFFEF7, lr;
	s5 =	simm.s32 $0xFFFFFFFF;
	p2 =	slt.u32 s8, $0xFFFFF086  }
0x1c: {  	p1 =	slt.u32 s9, $0xF7A;
	s5 =	simm.s32 @!p2 $0x0  }
0x1d: {  	s5 =	simm.s32 @p1 $0x1;
	p0 =	seq.s32 s7, s2  }
0x1e: {  	s7 =	smul.u32 @!p0 $0xF7A, s2;
	p2 =	seq.s32 @!p0 s5, $0x0  }
0x1f: {  	s9 =	smul.u32 $0xF7A, s1;
	s8 =	simm.s32 @!p0 $0x1BF5;
	p2 =	por !p2, p0  }
0x20: {  	[sflag:s8] =	ssyncset.s32 @!p0 $0xFFFFF086;
	s6 =	sadd.s32 @!p0 s3, s7;
	s7 =	simm.s32 @!p0 $0x108  }
0x21: {  	s3 =	sadd.s32 s3, s9;
	s6 =	sadd.s32 @!p0 $0x88, s6;
	s7 =	simm.s32 @p2 $0x1082  }
0x22: {  	[simem:s7], [sflag:s8] =	dma.local @!p0 [hbm:s6], $0xF7A  }
0x23: {  	s9 =	sor.u32 $0xD0000000, s2;
	s6 =	simm.s32 $0x108;
	_ =	swait.ge @!p0 [sflag:s8], $0x0  }
0x24: {  	s3 =	sadd.s32 $0x88, s3;
	s6 =	simm.s32 @!p1 $0x1082;
	[sflag:s4] =	ssyncset.s32 $0xFFFFF086  }
0x25: {  	[simem:s6], [sflag:s4] =	dma.local [hbm:s3], $0xF7A  }
0x26: {  	[smem:$0x3F96] =	sst s1;
	(tag) =	ssettag s2;
	_ =	strace s9  }
0x27: {  	s1 =	sld [smem:$0x3FA6]  }
0x28: {  	s2 =	sld [smem:$0x3FA7]  }
0x29: {  	s4 =	sld [smem:$0x3FA9]  }
0x2a: {  	p0 =	seq.s32 s5, $0x0;
	s5 =	sld [smem:$0x3FAA]  }
0x2b: {  	s6 =	sld [smem:$0x3FAB]  }
0x2c: {  	s7 =	sld [smem:$0x3FAC]  }
0x2d: {  	s3 =	simm.s32 $0x108;
	s8 =	sld [smem:$0x3FAD]  }
0x2e: {  	s3 =	simm.s32 @!p0 $0x1082;
	s9 =	sld [smem:$0x3FAE]  }
0x2f: {  	lr =	sadd.s32 s0, s3;
	s0 =	sld [smem:$0x3FA5]  }
0x30: {  	s3 =	sld [smem:$0x3FA8]  }
0x31: {  	[smem:$0x3FB1] =	sst s10  }
0x32: {  	s10 =	sld [smem:$0x3FAF];
	_ =	sdelay $0x3  }
0x33: {  	p0 =	seq.s32 s10, $0x1;
	s10 =	sld [smem:$0x3FB1];
	_ =	sdelay $0x3  }
0x34: {  	[smem:$0x3FB1] =	sst s10  }
0x35: {  	s10 =	sld [smem:$0x3FB0];
	_ =	sdelay $0x3  }
0x36: {  	p1 =	seq.s32 s10, $0x1;
	s10 =	sld [smem:$0x3FB1];
	_ =	sdelay $0x3  }
0x37: {  	[smem:$0x3FB1] =	sst s10  }
0x38: {  	s10 =	sld [smem:$0x3FB2]  }
0x39: {  	_ = 	snop;
	(pc) =	sbr.ind lr, $3  }
0x3a: {  	_ = 	snop  }
0x3b: {  	_ = 	snop  }
0x3c: {  	p2 =	seq.s32 s10, $0x1;
	s10 =	sld [smem:$0x3FB1]  }
0x3d: {  	_ =	shalt  }
0x3e: {  	_ =	shalt  }
0x3f: {  	_ =	shalt  }
0x40: {  	_ =	shalt  }
0x41: {  	_ =	shalt  }
0x42: {  	_ =	shalt  }
0x43: {  	_ =	shalt  }
0x44: {  	_ =	shalt  }
0x45: {  	_ =	shalt  }
0x46: {  	_ =	shalt  }
0x47: {  	_ =	shalt  }
0x48: {  	_ =	shalt  }
0x49: {  	_ =	shalt  }
0x4a: {  	_ =	shalt  }
0x4b: {  	_ =	shalt  }
0x4c: {  	_ =	shalt  }
0x4d: {  	_ =	shalt  }
0x4e: {  	_ =	shalt  }
0x4f: {  	_ =	shalt  }
0x50: {  	_ =	shalt  }
0x51: {  	_ =	shalt  }
0x52: {  	_ =	shalt  }
0x53: {  	_ =	shalt  }
0x54: {  	_ =	shalt  }
0x55: {  	_ =	shalt  }
0x56: {  	_ =	shalt  }
0x57: {  	_ =	shalt  }
0x58: {  	_ =	shalt  }
0x59: {  	_ =	shalt  }
0x5a: {  	_ =	shalt  }
0x5b: {  	_ =	shalt  }
0x5c: {  	_ =	shalt  }
0x5d: {  	_ =	shalt  }
0x5e: {  	_ =	shalt  }
0x5f: {  	_ =	shalt  }
0x60: {  	_ =	shalt  }
0x61: {  	_ =	shalt  }
0x62: {  	_ =	shalt  }
0x63: {  	_ =	shalt  }
0x64: {  	_ =	shalt  }
0x65: {  	_ =	shalt  }
0x66: {  	_ =	shalt  }
0x67: {  	_ =	shalt  }
0x68: {  	_ =	shalt  }
0x69: {  	_ =	shalt  }
0x6a: {  	_ =	shalt  }
0x6b: {  	_ =	shalt  }
0x6c: {  	_ =	shalt  }
0x6d: {  	_ =	shalt  }
0x6e: {  	_ =	shalt  }
0x6f: {  	_ =	shalt  }
0x70: {  	_ =	shalt  }
0x71: {  	_ =	shalt  }
0x72: {  	_ =	shalt  }
0x73: {  	_ =	shalt  }
0x74: {  	_ =	shalt  }
0x75: {  	_ =	shalt  }
0x76: {  	_ =	shalt  }
0x77: {  	_ =	shalt  }
0x78: {  	_ =	shalt  }
0x79: {  	_ =	shalt  }
0x7a: {  	_ =	shalt  }
0x7b: {  	_ =	shalt  }
0x7c: {  	_ =	shalt  }
0x7d: {  	_ =	shalt  }
0x7e: {  	_ =	shalt  }
0x7f: {  	_ =	shalt  }
0x80: {  	_ =	shalt  }
0x81: {  	_ =	shalt  }
0x82: {  	_ =	shalt  }
0x83: {  	_ =	shalt  }
0x84: {  	_ =	shalt  }
0x85: {  	_ =	shalt  }
0x86: {  	_ =	shalt  }
0x87: {  	_ =	shalt  }
.Lfunc_end0:
.L_simem_size_0:
called_computation.1_lowered:
.L_overlay_start_0:
0x88: {  	s2 =	sld [smem:$0x3FD9]  }
0x89: {  	s3 =	sld [smem:$0x3FFE];
	_ =	sdelay $0x1  }
0x8a: {  	s1 =	srdreg.scid  }
0x8b: {  	s0 =	sand.u32 $0x1, s1  }
0x8c: {  	s14 =	sshll.u32 s0, $0xA;
	s2 =	sadd.s32 s3, s2  }
0x8d: {  	s2 =	sadd.s32 s2, s14  }
0x8e: {  	[smem:$0x3FBD] =	sst s2  }
0x8f: {  	_ = 	snop  }
0x90: {  	s2 =	sld [smem:$0x3FD0];
	_ =	sdelay $0x2  }
0x91: {  	s15 =	simm.s32 $0xA;
	s4 =	simm.s32 $0x10  }
0x92: {  	[smem:s4], [sflag:s15] =	dma.local [hbm:s2], $0x1  }
0x93: {  	_ =	swait.eq [sflag:s15], $0x1  }
0x94: {  	[sflag:s15] =	ssyncset.done $0x0  }
0x95: {  	s16 =	sld [smem:$0x10];
	[sflag:s15] =	ssyncadd.s32 $0xFFFFFFFF  }
0x96: {  	s17 =	sld [smem:$0x11];
	(tm) =	ssettm $0x1  }
0x97: {  	s18 =	sld [smem:$0x3FFB];
	_ =	sdelay $0x3  }
0x98: {  	_ =	strace s18  }
0x99: {  	s4 =	sld [smem:$0x3FFC];
	_ =	sdelay $0x3  }
0x9a: {  	_ =	strace s4  }
0x9b: {  	s4 =	sld [smem:$0x3FFD];
	_ =	sdelay $0x3  }
0x9c: {  	_ =	strace s4  }
0x9d: {  	_ =	strace $0x8FFFFFFF  }
0x9e: {  	s19 =	sld [smem:$0x3FDB];
	_ =	sdelay $0x1  }
0x9f: {  	s5 =	simm.s32 $_scs_section_size  }
0xa0: {  	s6 =	simm.s32 $_size__tile_overlayer_lowered;
	s7 =	simm.s32 $_tile_overlayer_lowered  }
0xa1: {  	s22 =	simm.s32 $0x1BFF;
	s21 =	sshll.u32 s7, $0x1;
	s4 =	sadd.s32 s5, s19  }
0xa2: {  	s8 =	simm.s32 $0x0;
	s20 =	sshll.u32 s6, $0x1;
	s6 =	sadd.s32 s21, s4  }
0xa3: {  	[timem:s8], [sflag:s22] =	dma.local [hbm:s6], s20  }
0xa4: {  	_ =	swait.ge [sflag:s22], s20  }
0xa5: {  	s5 =	ssub.s32 $0x0, s20;
	[sflag:s22] =	ssyncset.done $0x0  }
0xa6: {  	[sflag:s22] =	ssyncadd.s32 s5;
	_ =	sdelay $0x1  }
0xa7: {  	s23 =	simm.s32 $0x1B8B  }
0xa8: {  	_ =	swait.ge [sflag:s23], $0x1  }
0xa9: {  	[sflag:s23] =	ssyncset.done $0x0  }
0xaa: {  	s25 =	simm.s32 $0x1B8E;
	s24 =	sld [smem:$0x3FFE];
	[sflag:s23] =	ssyncadd.s32 $0xFFFFFFFF  }
0xab: {  	s26 =	simm.s32 $execute0_lowered;
	[smem:$0x3FD2] =	sst s25  }
0xac: {  	s6 =	sshll.u32 s26, $0x1;
	_ =	strace $0x80000050;
	[dreg:$0x1] =	wrdreg $0xFFFFFFFF  }
0xad: {  	s28 =	simm.s32 $_size_execute0_lowered;
	s4 =	sadd.s32 s4, s6;
	[dreg:$0x0] =	wrdreg $0x0  }
0xae: {  	s6 =	sshll.u32 s28, $0x1;
	[dreg:$0x2] =	wrdreg s4  }
0xaf: {  	[dreg:$0x3] =	wrdreg s6  }
0xb0: {  	[dreg:$0x4] =	wrdreg $0xC0  }
0xb1: {  	_ =	task [dreg:s8], $0x5FFFF  }
0xb2: {  	[dreg:$0x1] =	wrdreg $0xFFFFFFFF  }
0xb3: {  	[dreg:$0x0] =	wrdreg $0x60  }
0xb4: {  	[dreg:$0x2] =	wrdreg s24  }
0xb5: {  	[dreg:$0x3] =	wrdreg s16  }
0xb6: {  	[dreg:$0x4] =	wrdreg s17  }
0xb7: {  	[dreg:$0x5] =	wrdreg $0x0  }
0xb8: {  	[dreg:$0x6] =	wrdreg $0x9  }
0xb9: {  	_ =	task.clear_ibuf [dreg:s8], $0x7FFFF;
	_ =	strace $0x90000050  }
0xba: {  	s29 =	simm.s32 $0x9;
	_ =	strace $0x80000058  }
0xbb: {  	_ =	swait.ge [sflag:s29], $0x1  }
0xbc: {  	[sflag:s29] =	ssyncadd.s32 $0xFFFFFFFF  }
0xbd: {  	_ =	strace $0x90000058  }
0xbe: {  	_ =	sfence  }
0xbf: {  	s30 =	sld [smem:$0x0];
	_ =	sdelay $0x2  }
0xc0: {  	s31 =	sshll.u32 s1, $0xD;
	s1 =	sshrl.u32 s1, $0x2  }
0xc1: {  	s3 =	sand.u32 $0x4000, s31;
	s1 =	sadd.s32 s1, s30  }
0xc2: {  	s0 =	sor.u32 s3, s0;
	s1 =	sshll.u32 s1, $0x11  }
0xc3: {  	s0 =	sor.u32 s1, s0  }
0xc4: {  	s0 =	sadd.s32 $0x8F2B, s0  }
0xc5: {  	[sflag:s0] =	ssyncadd.remote.s32 $0x1  }
0xc6: {  	_ =	sfence.sel $0xFFFF  }
0xc7: {  	[dreg:$0x0] =	wrdreg $0xFFFFFFFF;
	(pc) =	sbr.abs _section_cstart, $3  }
0xc8: {  	[dreg:$0x1] =	wrdreg $0xFFFFFFFF  }
0xc9: {  	_ =	task.clear_ibuf [dreg:s8], $0x2FFFF;
	_ =	strace $0x9FFFFFFF  }
0xca: {  	(tm) =	ssettm $0x7FFFFFFF  }
0xcb: {  	_ =	shalt  }
tec
execute0_lowered:
.L_overlay_start_1:
0x0: {  	(tag) =	ssettag $0x1  }
0x1: {  	s0 =	rddreg [dreg:$0x0]  }
0x2: {  	s1 =	rddreg [dreg:$0x1]  }
0x3: {  	s4 =	rddreg [dreg:$0x3]  }
0x4: {  	s2 =	srdreg.scid;
	s11 =	stileid.u32  }
0x5: {  	s5 =	simm.s32 $0x0;
	s18 =	simm.s32 $0x80;
	s19 =	simm.s32 $0x5  }
0x6: {  	s20 =	simm.s32 $0x1;
	s21 =	simm.s32 $0x0;
	s2 =	sand.u32 $0x1, s2  }
0x7: {  	s3 =	smul.u32 $0x4E20, s11;
	[smem:$0x7FF] =	sst s5;
	s6 =	sadd.s32 $0x1E00, s0  }
0x8: {  	s7 =	smul.u32 $0x4E200, s2;
	s8 =	sshll.u32 s2, $0x4;
	s2 =	ssub.s32 $0x2, s2  }
0x9: {  	_ =	strace $0x80000051;
	s8 =	sor.u32 s11, s8;
	s9 =	sshrl.u32 s2, $0x1  }
0xa: {  	s11 =	sshll.u32 s11, $0x6;
	s7 =	sadd.s32 s3, s7;
	s10 =	smul.u32 $0x27, s8  }
0xb: {  	s2 =	ssub.s32 s2, s9;
	s9 =	smul.u32 $0x28, s8;
	s7 =	sshrl.u32 s7, $0x3  }
0xc: {  	p0 =	slt.u32 s8, $0x2;
	s0 =	sadd.s32 s7, s0;
	s7 =	sadd.s32 $0x2, s10  }
0xd: {  	s3 =	sadd.s32 s3, s4;
	s8 =	sor.u32 $0x1C01, s11;
	s7 =	smov.u32 @p0 s9  }
0xe: {  	s14 =	smax.u32 s2, $0x1;
	s9 =	simm.s32 $0x28;
	s29 =	sshll.u32 s7, $0x9  }
0xf: {  	s0 =	sadd.s32 $0x9E200, s0;
	s30 =	sshll.u32 s7, $0x4;
	s10 =	sand.u32 $0x1FFFFE00, s29  }
0x10: {  	[dreg:$0x7] =	wrdreg s0;
	s11 =	sand.u32 $0x1FFFFFF0, s30;
	s10 =	sadd.s32 s6, s10  }
0x11: {  	s9 =	simm.s32 @!p0 $0x27;
	s31 =	sadd.s32 s1, s11;
	[dreg:$0x5] =	wrdreg s10  }
0x12: {  	s15 =	sshrl.u32 s3, $0x3;
	s12 =	sadd.s32 $0xFFFFFFFF, s9;
	[dreg:$0x6] =	wrdreg s31  }
.LBB2_1:
0x13: {  	s0 =	rddreg [dreg:$0x2]  }
0x14: {  	[spmem:s15], [sflag:s8] =	dma.local [hbm:s0], $0x9C4  }
0x15: {  	_ =	swait.ge [sflag:s20], $0x9C4  }
0x16: {  	[sflag:s20] =	ssyncset.done $0x0  }
0x17: {  	[sflag:s20] =	ssyncadd.s32 $0xFFFFF63C  }
0x18: {  	s2 =	simm.s32 $0x4E20;
	[bflag:$0x0] =	sbarrier.arrive $0xFFFF  }
0x19: {  	s31 =	simm.s32 $0x6E20;
	p1 =	sne.s32 s12, $0x1;
	_ =	strace $0x80000052  }
.Ltmp0:
0x1a: {  	p0 =	seq.s32 s9, $0x1;
	s29 =	rddreg [dreg:$0x5];
	(pc) =	sbr.rel @!p1 .LBB2_2-.Ltmp0, $4  }
0x1b: {  	[tilespmem:s2], [sflag:$0x1] =	stream.linear.gather [hbm4b:s29+s5], $0x1000, $0x200038;
	[tilespmem:$0x6F20] =	vst v63  }
0x1c: {  	s22 =	simm.s32 $0x1;
	s23 =	simm.s32 $0x1;
	s30 =	rddreg [dreg:$0x6]  }
0x1d: {  	[tilespmem:s31], [sflag:$0x3] =	stream.linear.gather [hbm4b:s30+s5], $0x80, $0x200038;
	[tilespmem:$0x6F20] =	vst v63  }
0x1e: {  	s22 =	simm.s32 @p0 $0x0;
	p0 =	por $0x0, $0x0;
	_ =	strace $0x90000052  }
0x1f: {  	p0 =	seq.s32 s22, $0x0;
	s23 =	simm.s32 $0x2;
	s17 =	simm.s32 $0x0  }
0x20: {  	p1 =	sne.s32 s12, $0x2;
	s31 =	simm.s32 $0x1;
	s0 =	sadd.s32 @!p0 s7, s22  }
0x21: {  	s2 =	sand.u32 @!p0 $0x1, s20;
	s26 =	simm.s32 @!p0 $0x0;
	s29 =	simm.s32 @!p0 $0x1  }
0x22: {  	_ =	strace @!p0 $0x80000053;
	s3 =	sshll.u32 @!p0 s0, $0x9;
	s24 =	sshll.u32 @!p0 s2, $0xC  }
0x23: {  	s25 =	sadd.s32 @!p0 $0x1, s2;
	s0 =	sshll.u32 @!p0 s0, $0x4;
	s28 =	sshll.u32 @!p0 s2, $0x7  }
0x24: {  	s2 =	sadd.s32 @!p0 $0x3, s2;
	s29 =	simm.s32 @p0 $0x0;
	s3 =	sand.u32 @!p0 $0x1FFFFE00, s3  }
0x25: {  	s24 =	sor.u32 @!p0 $0x4E20, s24;
	s0 =	sand.u32 @!p0 $0x1FFFFFF0, s0;
	s3 =	sadd.s32 @!p0 s6, s3  }
0x26: {  	[tilespmem:s24], [sflag:s25] =	stream.linear.gather @!p0 [hbm4b:s3+s26], $0x1000, $0x200038;
	[tilespmem:$0x6F20] =	vst v63  }
0x27: {  	s28 =	sor.u32 @!p0 $0x6E20, s28;
	s0 =	sadd.s32 @!p0 s1, s0;
	_ =	strace @!p0 $0x90000053  }
0x28: {  	s24 =	sadd.s32 $0x1, s29;
	s25 =	sand.u32 $0x1, s5;
	_ =	strace @!p0 $0x80000054  }
0x29: {  	[tilespmem:s28], [sflag:s2] =	stream.linear.gather @!p0 [hbm4b:s0+s26], $0x80, $0x200038;
	[tilespmem:$0x6F20] =	vst v63  }
0x2a: {  	s29 =	sadd.s32 $0x1, s22;
	s30 =	sadd.s32 $0x1, s25;
	_ =	strace @!p0 $0x90000054  }
0x2b: {  	s26 =	simm.s32 $0x0;
	s0 =	sadd.s32 $0x3, s25;
	_ =	strace $0x80000055  }
0x2c: {  	s2 =	sand.u32 $0x1000, s17;
	s28 =	simm.s32 $0x0;
	_ =	swait.ge [sflag:s30], $0x1000  }
0x2d: {  	s3 =	sand.u32 $0x80, s26;
	s26 =	simm.s32 @!p0 $0x2;
	[sflag:s30] =	ssyncset.done $0x0  }
.Ltmp1:
0x2e: {  	s2 =	sor.u32 $0x4E20, s2;
	[sflag:s30] =	ssyncadd.s32 $0xFFFFF000;
	(pc) =	sbr.rel @!p1 .LBB2_4-.Ltmp1, $4  }
0x2f: {  	s26 =	smov.u32 @p0 s20;
	p0 =	sne.s32 s22, $0x0;
	_ =	strace $0x90000055  }
0x30: {  	s31 =	simm.s32 @!p0 $0x0;
	p0 =	seq.s32 s29, s9;
	_ =	strace $0x80000056  }
0x31: {  	s3 =	sor.u32 $0x6E20, s3;
	s29 =	simm.s32 @p0 $0x0;
	_ =	swait.ge [sflag:s0], $0x80  }
0x32: {  	s25 =	sadd.s32 $0x0, s31;
	p0 =	por $0x1, $0x1;
	[sflag:s0] =	ssyncset.done $0x0  }
.LBB2_5:
0x33: {  	s30 =	smov.u32 s26  }
0x34: {  	s23 =	sadd.s32 $0x1, s23;
	p1 =	seq.s32 s22, s29;
	s28 =	sadd.s32 s31, s28  }
0x35: {  	s26 =	sadd.s32 @!p1 s7, s29;
	s31 =	sand.u32 @!p1 $0x1, s30;
	[sflag:s0] =	ssyncadd.s32 $0xFFFFFF80  }
0x36: {  	s0 =	sshll.u32 @!p1 s31, $0xC;
	s16 =	sshll.u32 @!p1 s26, $0x9;
	_ =	strace $0x90000056  }
0x37: {  	s17 =	sand.u32 @!p1 $0x1, s24;
	s16 =	sand.u32 @!p1 $0x1FFFFE00, s16;
	_ =	strace $0x80000057  }
0x38: {  	[spmem:s4] =	stream.indirect.scatter.add.f32 [tilespmem:s2], [sflag:$0x5], $0x20, s3, s18, $0x2000b8;
	[tilespmem:$0x6F20] =	vst v63  }
0x39: {  	s26 =	sshll.u32 @!p1 s26, $0x4;
	s2 =	sadd.s32 @!p1 $0x1, s31;
	s3 =	simm.s32 @!p1 $0x0  }
0x3a: {  	s0 =	sor.u32 @!p1 $0x4E20, s0;
	s26 =	sand.u32 @!p1 $0x1FFFFFF0, s26;
	s31 =	sshll.u32 @!p1 s17, $0x7  }
0x3b: {  	s10 =	simm.s32 @!p1 $0x1;
	s31 =	sor.u32 @!p1 $0x6E20, s31;
	_ =	swait.ge [sflag:s19], $0x1000  }
0x3c: {  	s16 =	sadd.s32 @!p1 s6, s16;
	s17 =	sadd.s32 @!p1 $0x3, s17;
	[sflag:s19] =	ssyncset.done $0x0  }
0x3d: {  	s10 =	simm.s32 @p1 $0x0;
	s11 =	sadd.s32 @!p1 s1, s26;
	[sflag:s19] =	ssyncadd.s32 $0xFFFFF000  }
0x3e: {  	s24 =	sadd.s32 s24, s10;
	s10 =	sshll.u32 s28, $0xC;
	_ =	strace $0x90000057  }
0x3f: {  	s13 =	sshll.u32 s25, $0x7;
	s26 =	sand.u32 $0x1, s28;
	_ =	strace @!p1 $0x80000053  }
0x40: {  	[tilespmem:s0], [sflag:s2] =	stream.linear.gather @!p1 [hbm4b:s16+s3], $0x1000, $0x200038;
	[tilespmem:$0x6F20] =	vst v63  }
0x41: {  	s13 =	sand.u32 $0x80, s13;
	s2 =	sadd.s32 $0x1, s26;
	_ =	strace @!p1 $0x90000053  }
0x42: {  	s26 =	sadd.s32 @!p1 $0x1, s30;
	s0 =	sand.u32 $0x1, s25;
	_ =	strace @!p1 $0x80000054  }
0x43: {  	[tilespmem:s31], [sflag:s17] =	stream.linear.gather @!p1 [hbm4b:s11+s3], $0x80, $0x200038;
	[tilespmem:$0x6F20] =	vst v63  }
0x44: {  	s26 =	smov.u32 @p1 s30;
	s0 =	sadd.s32 $0x3, s0;
	_ =	strace @!p1 $0x90000054  }
0x45: {  	p1 =	sne.s32 s12, s23;
	_ =	strace $0x80000055  }
0x46: {  	p2 =	sne.s32 s22, s29;
	_ =	swait.ge [sflag:s2], $0x1000  }
0x47: {  	s22 =	smov.u32 s29;
	s31 =	simm.s32 $0x1;
	[sflag:s2] =	ssyncset.done $0x0  }
.Ltmp2:
0x48: {  	[sflag:s2] =	ssyncadd.s32 $0xFFFFF000;
	s2 =	sand.u32 $0x1000, s10;
	(pc) =	sbr.rel @p1 .LBB2_5-.Ltmp2, $4  }
0x49: {  	s29 =	sadd.s32 $0x1, s29;
	s31 =	simm.s32 @!p2 $0x0;
	_ =	strace $0x90000055  }
0x4a: {  	p2 =	seq.s32 s29, s9;
	s2 =	sor.u32 $0x4E20, s2;
	_ =	strace $0x80000056  }
0x4b: {  	s3 =	sor.u32 $0x6E20, s13;
	s29 =	simm.s32 @p2 $0x0;
	_ =	swait.ge [sflag:s0], $0x80  }
0x4c: {  	s25 =	sadd.s32 s31, s25;
	[sflag:s0] =	ssyncset.done $0x0  }
0x4d: {  	s30 =	smov.u32 s22;
	s22 =	smov.u32 s29  }
.LBB2_7:
0x4e: {  	[sflag:s0] =	ssyncadd.s32 @p0 $0xFFFFFF80  }
0x4f: {  	_ =	strace @p0 $0x90000056  }
0x50: {  	p1 =	seq.s32 s30, s22;
	_ =	strace @p0 $0x80000057  }
0x51: {  	[spmem:s4] =	stream.indirect.scatter.add.f32 @p0 [tilespmem:s2], [sflag:$0x5], $0x20, s3, s18, $0x2000b8;
	[tilespmem:$0x6F20] =	vst v63  }
0x52: {  	s0 =	sadd.s32 @!p1 s7, s22;
	s11 =	simm.s32 @!p1 $0x0;
	_ =	swait.ge @p0 [sflag:s19], $0x1000  }
0x53: {  	s2 =	sand.u32 @!p1 $0x1, s26;
	s3 =	sshll.u32 @!p1 s0, $0x9;
	[sflag:s19] =	ssyncset.done @p0 $0x0  }
0x54: {  	s0 =	sshll.u32 @!p1 s0, $0x4;
	s10 =	sshll.u32 @!p1 s2, $0xC;
	[sflag:s19] =	ssyncadd.s32 @p0 $0xFFFFF000  }
0x55: {  	s3 =	sand.u32 @!p1 $0x1FFFFE00, s3;
	s2 =	sadd.s32 @!p1 $0x1, s2;
	_ =	strace @p0 $0x90000057  }
0x56: {  	s10 =	sor.u32 @!p1 $0x4E20, s10;
	s3 =	sadd.s32 @!p1 s6, s3;
	_ =	strace @!p1 $0x80000053  }
0x57: {  	[tilespmem:s10], [sflag:s2] =	stream.linear.gather @!p1 [hbm4b:s3+s11], $0x1000, $0x200038;
	[tilespmem:$0x6F20] =	vst v63  }
0x58: {  	s0 =	sand.u32 @!p1 $0x1FFFFFF0, s0;
	s2 =	sand.u32 @!p1 $0x1, s24  }
0x59: {  	s0 =	sadd.s32 @!p1 s1, s0;
	s3 =	sshll.u32 @!p1 s2, $0x7;
	_ =	strace @!p1 $0x90000053  }
0x5a: {  	s2 =	sadd.s32 @!p1 $0x3, s2;
	s3 =	sor.u32 @!p1 $0x6E20, s3;
	_ =	strace @!p1 $0x80000054  }
0x5b: {  	[tilespmem:s3], [sflag:s2] =	stream.linear.gather @!p1 [hbm4b:s0+s11], $0x80, $0x200038;
	[tilespmem:$0x6F20] =	vst v63  }
0x5c: {  	s2 =	sadd.s32 @p0 s31, s28;
	s0 =	simm.s32 $0x0  }
0x5d: {  	s0 =	smov.u32 @p0 s2  }
0x5e: {  	_ =	strace @!p1 $0x90000054;
	s2 =	sand.u32 $0x1, s0  }
0x5f: {  	_ =	strace $0x80000055;
	s2 =	sadd.s32 $0x1, s2  }
0x60: {  	_ =	swait.ge [sflag:s2], $0x1000  }
0x61: {  	[sflag:s2] =	ssyncset.done $0x0  }
0x62: {  	[sflag:s2] =	ssyncadd.s32 $0xFFFFF000  }
0x63: {  	s13 =	sand.u32 $0x1, s25;
	_ =	strace $0x90000055  }
0x64: {  	s2 =	sadd.s32 $0x3, s13;
	_ =	strace $0x80000056  }
0x65: {  	_ =	swait.ge [sflag:s2], $0x80  }
0x66: {  	[sflag:s2] =	ssyncset.done $0x0  }
0x67: {  	s17 =	sshll.u32 s25, $0x7;
	s16 =	sshll.u32 s0, $0xC;
	[sflag:s2] =	ssyncadd.s32 $0xFFFFFF80  }
0x68: {  	s28 =	sand.u32 $0x80, s17;
	s3 =	sand.u32 $0x1000, s16;
	_ =	strace $0x90000056  }
0x69: {  	s3 =	sor.u32 $0x4E20, s3;
	s2 =	sor.u32 $0x6E20, s28;
	_ =	strace $0x80000057  }
0x6a: {  	[spmem:s4] =	stream.indirect.scatter.add.f32 [tilespmem:s3], [sflag:$0x5], $0x20, s2, s18, $0x2000b8;
	[tilespmem:$0x6F20] =	vst v63  }
0x6b: {  	s2 =	sadd.s32 $0x1, s22  }
0x6c: {  	p0 =	seq.s32 s2, s9  }
0x6d: {  	_ =	swait.ge [sflag:s19], $0x1000;
	s2 =	simm.s32 @p0 $0x0;
	p0 =	sge.u32 s23, s12  }
0x6e: {  	[sflag:s19] =	ssyncset.done $0x0;
	p2 =	seq.s32 @!p0 s22, s2  }
0x6f: {  	s3 =	sadd.s32 @!p1 $0x1, s26;
	[sflag:s19] =	ssyncadd.s32 $0xFFFFF000;
	p0 =	por p2, p0  }
0x70: {  	s3 =	smov.u32 @p1 s26;
	_ =	strace $0x90000057;
	s2 =	sadd.s32 @!p0 s7, s2  }
0x71: {  	s3 =	sand.u32 @!p0 $0x1, s3;
	_ =	strace @!p0 $0x80000053;
	s11 =	sshll.u32 @!p0 s2, $0x9  }
0x72: {  	s13 =	simm.s32 @!p0 $0x0;
	s10 =	sshll.u32 @!p0 s3, $0xC;
	s11 =	sand.u32 @!p0 $0x1FFFFE00, s11  }
0x73: {  	s3 =	sadd.s32 @!p0 $0x1, s3;
	s10 =	sor.u32 @!p0 $0x4E20, s10;
	s11 =	sadd.s32 @!p0 s6, s11  }
0x74: {  	[tilespmem:s10], [sflag:s3] =	stream.linear.gather @!p0 [hbm4b:s11+s13], $0x1000, $0x200038;
	[tilespmem:$0x6F20] =	vst v63  }
0x75: {  	s3 =	simm.s32 @!p1 $0x1  }
0x76: {  	s3 =	simm.s32 @p1 $0x0  }
0x77: {  	s2 =	sshll.u32 @!p0 s2, $0x4;
	s3 =	sadd.s32 s24, s3  }
0x78: {  	s2 =	sand.u32 @!p0 $0x1FFFFFF0, s2;
	s3 =	sand.u32 @!p0 $0x1, s3  }
0x79: {  	s2 =	sadd.s32 @!p0 s1, s2;
	_ =	strace @!p0 $0x90000053;
	s10 =	sshll.u32 @!p0 s3, $0x7  }
0x7a: {  	_ =	strace @!p0 $0x80000054;
	s3 =	sadd.s32 @!p0 $0x3, s3;
	s10 =	sor.u32 @!p0 $0x6E20, s10  }
0x7b: {  	[tilespmem:s10], [sflag:s3] =	stream.linear.gather @!p0 [hbm4b:s2+s13], $0x80, $0x200038;
	[tilespmem:$0x6F20] =	vst v63  }
0x7c: {  	p1 =	sne.s32 s30, s22;
	s2 =	simm.s32 $0x1  }
0x7d: {  	s2 =	simm.s32 @!p1 $0x0  }
0x7e: {  	s0 =	sadd.s32 s2, s0  }
0x7f: {  	_ =	strace @!p0 $0x90000054;
	s29 =	sand.u32 $0x1, s0  }
0x80: {  	_ =	strace $0x80000055;
	s3 =	sadd.s32 $0x1, s29  }
0x81: {  	_ =	swait.ge [sflag:s3], $0x1000  }
0x82: {  	[sflag:s3] =	ssyncset.done $0x0  }
0x83: {  	s2 =	sadd.s32 s2, s25;
	[sflag:s3] =	ssyncadd.s32 $0xFFFFF000  }
0x84: {  	s30 =	sand.u32 $0x1, s2;
	_ =	strace $0x90000055  }
0x85: {  	s3 =	sadd.s32 $0x3, s30;
	_ =	strace $0x80000056  }
0x86: {  	_ =	swait.ge [sflag:s3], $0x80  }
0x87: {  	[sflag:s3] =	ssyncset.done $0x0  }
0x88: {  	s0 =	sshll.u32 s0, $0xC;
	s2 =	sshll.u32 s2, $0x7;
	[sflag:s3] =	ssyncadd.s32 $0xFFFFFF80  }
0x89: {  	s0 =	sand.u32 $0x1000, s0;
	s2 =	sand.u32 $0x80, s2;
	_ =	strace $0x90000056  }
0x8a: {  	s0 =	sor.u32 $0x4E20, s0;
	s2 =	sor.u32 $0x6E20, s2;
	_ =	strace $0x80000057  }
0x8b: {  	[spmem:s4] =	stream.indirect.scatter.add.f32 [tilespmem:s0], [sflag:$0x5], $0x20, s2, s18, $0x2000b8;
	[tilespmem:$0x6F20] =	vst v63  }
0x8c: {  	_ =	swait.ge [sflag:s19], $0x1000  }
0x8d: {  	[sflag:s19] =	ssyncset.done $0x0  }
0x8e: {  	[sflag:s19] =	ssyncadd.s32 $0xFFFFF000  }
0x8f: {  	_ =	strace $0x90000057  }
0x90: {  	s21 =	sadd.s32 $0x1, s21;
	[bflag:$0x0] =	sbarrier.arrive $0xFFFF  }
0x91: {  	p0 =	sne.s32 s21, s14;
	s31 =	rddreg [dreg:$0x7]  }
0x92: {  	[hbm:s31], [sflag:s8] =	dma.local [spmem:s15], $0x9C4  }
.Ltmp3:
0x93: {  	_ = 	snop;
	(pc) =	sbr.rel @p0 .LBB2_1-.Ltmp3, $4  }
.Ltmp4:
0x94: {  	_ = 	snop;
	(pc) =	sbr.rel @!p0 .LBB2_8-.Ltmp4, $4  }
0x95: {  	_ =	swait.ge [sflag:s20], $0x9C4  }
0x96: {  	[sflag:s20] =	ssyncset.done $0x0  }
0x97: {  	[sflag:s20] =	ssyncadd.s32 $0xFFFFF63C  }
0x98: {  	_ = 	snop  }
.LBB2_2:
.Ltmp5:
0x99: {  	(pc) =	sbr.rel .LBB2_7-.Ltmp5, $3  }
0x9a: {  	_ =	sdelay $0x1  }
0x9b: {  	s30 =	simm.s32 $0x0;
	s28 =	simm.s32 $0x0  }
0x9c: {  	s26 =	simm.s32 $0x1;
	s24 =	simm.s32 $0x1;
	s25 =	simm.s32 $0x0  }
.LBB2_4:
.Ltmp6:
0x9d: {  	(pc) =	sbr.rel .LBB2_7-.Ltmp6, $2  }
0x9e: {  	_ =	sdelay $0x2  }
0x9f: {  	s30 =	smov.u32 s22;
	s22 =	smov.u32 s29;
	s28 =	simm.s32 $0x0  }
.LBB2_8:
0xa0: {  	_ =	sfence.sel $0x180000  }
0xa1: {  	[bflag:$0x0] =	sbarrier.arrive $0xFFFF  }
0xa2: {  	_ =	strace $0x90000051  }
0xa3: {  	s0 =	stileid.u32;
	[bflag:$0x2] =	sbarrier.arrive $0xFFFF  }
0xa4: {  	p0 =	sne.s32 s0, $0x0;
	s0 =	rddreg [dreg:$0x4]  }
0xa5: {  	s0 =	sadd.s32 @!p0 $0x100000, s0  }
0xa6: {  	[sflag:s0] =	ssyncadd.tile.s32 @!p0 $0x1;
	_ =	shalt  }
.Lfunc_end2:
_tile_overlayer_lowered:
.L_overlay_start_2:
0xa7: {  	(tag) =	ssettag $0x2  }
0xa8: {  	s0 =	rddreg [dreg:$0x0];
	s2 =	stileid.u32  }
0xa9: {  	s1 =	rddreg [dreg:$0x1];
	p0 =	sne.s32 s2, $0x0  }
0xaa: {  	s3 =	rddreg [dreg:$0x2];
	[bflag:$0x3] =	sbarrier.arrive $0xFFFF;
	s2 =	simm.s32 @!p0 $0x1C01  }
0xab: {  	[timem:s3], [sflag:s2] =	dma.local @!p0 [hbm:s0], s1  }
0xac: {  	s0 =	simm.s32 @!p0 $0x1  }
0xad: {  	_ =	swait.ge @!p0 [sflag:s0], s1  }
0xae: {  	s1 =	ssub.s32 @!p0 $0x0, s1;
	[sflag:s0] =	ssyncset.done @!p0 $0x0  }
0xaf: {  	[sflag:s0] =	ssyncadd.s32 @!p0 s1  }
0xb0: {  	[bflag:$0x3] =	sbarrier.arrive $0xFFFF  }
0xb1: {  	_ =	shalt  }

</sc_bundles>
